<compile_context>
chip_gen: v7x
topology: tpu7x:2x2x1
jax: 0.10.2.dev20260603
libtpu: 0.0.44.dev20260713+nightly
codegen_flags: <defaults>
</compile_context>

<pallas_src>
import functools

import jax
import jax.numpy as jnp
from jax import lax
from jax.experimental import pallas as pl
from jax.experimental.pallas import tpu as pltpu
from jax.experimental.pallas import tpu_sc as plsc

CHUNK = 128
K = 4
NBUF = 3


@functools.cache
def _build_gather(n_total, emb):
    info = plsc.get_sparse_core_info()
    num_workers = info.num_cores * info.num_subcores
    group = K * CHUNK
    assert n_total % (num_workers * group) == 0
    G = n_total // (num_workers * group)
    rows_per_worker = G * K
    assert G >= NBUF + 1

    mesh = plsc.VectorSubcoreMesh(core_axis_name="c", subcore_axis_name="s")

    @functools.partial(
        pl.kernel,
        mesh=mesh,
        out_type=jax.ShapeDtypeStruct((n_total, 2 * emb), jnp.float32),
        scratch_types=[
            pltpu.VMEM((NBUF, K, CHUNK), jnp.int32),
            pltpu.VMEM((NBUF, K * CHUNK, emb), jnp.float32),
        ]
        + [pltpu.SemaphoreType.DMA] * (3 * NBUF),
        compiler_params=pltpu.CompilerParams(use_tc_tiling_on_sc=False),
    )
    def gather(idx_hbm, table_hbm, out_hbm, idx_v, rows_v, *sems):
        isem = sems[0:NBUF]
        gsem = sems[NBUF:2 * NBUF]
        wsem = sems[2 * NBUF:3 * NBUF]
        wid = lax.axis_index("s") * info.num_cores + lax.axis_index("c")
        row0 = wid * rows_per_worker

        def idx_copy(p, s):
            return pltpu.make_async_copy(
                idx_hbm.at[pl.ds(row0 + p * K, K)], idx_v.at[s], isem[s])

        def gathers(p, s):
            return [
                pltpu.make_async_copy(
                    table_hbm.at[idx_v.at[s, j]],
                    rows_v.at[s, pl.ds(j * CHUNK, CHUNK)],
                    gsem[s])
                for j in range(K)
            ]

        def wr_copy(p, s):
            return pltpu.make_async_copy(
                rows_v.at[s],
                out_hbm.at[pl.ds((row0 + p * K) * CHUNK, K * CHUNK),
                           pl.ds(0, emb)],
                wsem[s])

        def fire(p, s, guard_rows):
            idx_copy(p, s).wait()
            if guard_rows:
                @pl.when(p >= NBUF)
                def _():
                    wr_copy(p - NBUF, s).wait()
            gs = gathers(p, s)
            for g in gs:
                g.start()
            return gs

        def drain(p, s):
            for g in gathers(p, s):
                g.wait()
            wr_copy(p, s).start()

        idx_copy(0, 0).start()
        fire(0, 0, guard_rows=False)
        idx_copy(1, 1).start()

        main_groups = G - 2
        iters = main_groups // NBUF

        def body(i, carry):
            for b in range(NBUF):
                p = 1 + i * NBUF + b
                s = (1 + b) % NBUF
                fire(p, s, guard_rows=True)
                idx_copy(p + 1, (s + 1) % NBUF).start()
                drain(p - 1, (s - 1) % NBUF)
            return carry

        lax.fori_loop(0, iters, body, 0)

        for p in range(1 + iters * NBUF, G):
            s = p % NBUF
            idx_copy(p, s).wait()
            if p >= NBUF:
                wr_copy(p - NBUF, s).wait()
            for g in gathers(p, s):
                g.start()
            if p + 1 < G:
                idx_copy(p + 1, (p + 1) % NBUF).start()
            drain(p - 1, (p - 1) % NBUF)

        drain(G - 1, (G - 1) % NBUF)
        for p in range(max(0, G - NBUF), G):
            wr_copy(p, p % NBUF).wait()

    return gather


def kernel(x, table):
    b, l = x.shape
    _, emb = table.shape
    n = b * l
    idx = x.reshape(n // CHUNK, CHUNK)
    out = _build_gather(n, emb)(idx, table)
    return out[:, :emb].reshape(b, l, emb)

# --- scband reference (transcript-rebuilt; emitter-appended) ---
"""Pipeline reference for scband-token-embedding-76252849373644 (READ-ONLY COPY).

The authoritative reference and input builder live on the scoring server;
editing this copy changes nothing except your own understanding.
"""

import jax, jax.numpy as jnp
import numpy as np

VOCAB = 1000000
EMB = 64
B = 4096
L = 200

def setup_inputs(seed: int = 0) -> dict:
    key = jax.random.key(seed)
    k_idx, k_tab = jax.random.split(key)
    x = jax.random.randint(k_idx, (B, L), 0, VOCAB, dtype=jnp.int64 if jax.config.jax_enable_x64 else jnp.int32).astype(jnp.int32)
    table = jax.random.normal(k_tab, (VOCAB, EMB), dtype=jnp.float32) * 0.02
    return {"x": x, "table": table}

def reference(x, table):
    # Faithful translation of keras Embedding(vocab, dim, mask_zero=True).call(x):
    # the forward output is a plain gather; mask_zero only affects the Keras mask,
    # not the returned embedding values.
    out = jnp.take(table, x, axis=0)
    return out

if __name__ == "__main__":
    import jax
    _d = setup_inputs()
    print(jax.jit(kernel)(*tuple(_d.values())))

</pallas_src>

<mosaic_0001>
#map = affine_map<(d0, d1) -> (0, 0)>
module attributes {stable_mosaic.version = 14 : i64} {
  func.func @gather(%arg0: i32, %arg1: i32, %arg2: memref<6400x128xi32, #tpu.memory_space<hbm>>, %arg3: memref<1000000x64xf32, #tpu.memory_space<hbm>>, %arg4: memref<819200x128xf32, #tpu.memory_space<hbm>>, %arg5: memref<3x4x128xi32, #tpu.memory_space<vmem>>, %arg6: memref<3x512x64xf32, #tpu.memory_space<vmem>>, %arg7: memref<!tpu.dma_semaphore, #tpu.memory_space<semaphore_mem>>, %arg8: memref<!tpu.dma_semaphore, #tpu.memory_space<semaphore_mem>>, %arg9: memref<!tpu.dma_semaphore, #tpu.memory_space<semaphore_mem>>, %arg10: memref<!tpu.dma_semaphore, #tpu.memory_space<semaphore_mem>>, %arg11: memref<!tpu.dma_semaphore, #tpu.memory_space<semaphore_mem>>, %arg12: memref<!tpu.dma_semaphore, #tpu.memory_space<semaphore_mem>>, %arg13: memref<!tpu.dma_semaphore, #tpu.memory_space<semaphore_mem>>, %arg14: memref<!tpu.dma_semaphore, #tpu.memory_space<semaphore_mem>>, %arg15: memref<!tpu.dma_semaphore, #tpu.memory_space<semaphore_mem>>) attributes {dimension_semantics = [#tpu.dimension_semantics<core_parallel>, #tpu.dimension_semantics<subcore_parallel>], iteration_bounds = array<i64: 2, 16>, scalar_prefetch = 0 : i64, scratch_operands = 11 : i64, tpu.core_type = #tpu.core_type<sc_vector_subcore>, window_params = [{transform_indices = #map}, {transform_indices = #map}, {transform_indices = #map}]} {
    %mul3A = arith.constant 2 : i32
    %mul3A_0 = arith.muli %arg1, %mul3A : i32
    %add3A = arith.addi %mul3A_0, %arg0 : i32
    %mul3A_1 = arith.constant 200 : i32
    %mul3A_2 = arith.muli %add3A, %mul3A_1 : i32
    %add3A_3 = arith.constant 0 : i32
    %add3A_4 = arith.addi %mul3A_2, %add3A_3 : i32
    %dma_start3A = arith.constant 0 : i32
    %dma_start3A_5 = arith.constant 0 : i32
    %dma_start3A_6 = arith.constant 0 : i32
    %dma_start3A_7 = tpu.memref_slice %arg5[%dma_start3A, %dma_start3A_5, %dma_start3A_6] : memref<3x4x128xi32, #tpu.memory_space<vmem>> -> memref<1x4x128xi32, #tpu.memory_space<vmem>>
    %dma_start3A_8 = tpu.memref_squeeze %dma_start3A_7 : memref<1x4x128xi32, #tpu.memory_space<vmem>> -> memref<4x128xi32, #tpu.memory_space<vmem>>
    %dma_start3A_9 = arith.constant 0 : i32
    %dma_start3A_10 = tpu.memref_slice %arg2[%add3A_4, %dma_start3A_9] : memref<6400x128xi32, #tpu.memory_space<hbm>> -> memref<4x128xi32, #tpu.memory_space<hbm>>
    %dma_start3A_11 = arith.constant 0 : i32
    %dma_start3A_12 = arith.constant 0 : i32
    %dma_start3A_13 = tpu.memref_slice %arg5[%dma_start3A, %dma_start3A_11, %dma_start3A_12] : memref<3x4x128xi32, #tpu.memory_space<vmem>> -> memref<1x4x128xi32, #tpu.memory_space<vmem>>
    %dma_start3A_14 = tpu.memref_squeeze %dma_start3A_13 : memref<1x4x128xi32, #tpu.memory_space<vmem>> -> memref<4x128xi32, #tpu.memory_space<vmem>>
    %dma_start3A_15 = arith.constant 0 : i32
    %dma_start3A_16 = tpu.memref_slice %arg2[%add3A_4, %dma_start3A_15] : memref<6400x128xi32, #tpu.memory_space<hbm>> -> memref<4x128xi32, #tpu.memory_space<hbm>>
    tpu.enqueue_dma source(%dma_start3A_16 : memref<4x128xi32, #tpu.memory_space<hbm>>) target(%dma_start3A_14 : memref<4x128xi32, #tpu.memory_space<vmem>>) target_semaphore(%arg7 : memref<!tpu.dma_semaphore, #tpu.memory_space<semaphore_mem>>)
    %add3A_17 = arith.constant 0 : i32
    %add3A_18 = arith.addi %mul3A_2, %add3A_17 : i32
    %dma_wait3A = arith.constant 0 : i32
    %dma_wait3A_19 = arith.constant 0 : i32
    %dma_wait3A_20 = arith.constant 0 : i32
    %dma_wait3A_21 = tpu.memref_slice %arg5[%dma_wait3A, %dma_wait3A_19, %dma_wait3A_20] : memref<3x4x128xi32, #tpu.memory_space<vmem>> -> memref<1x4x128xi32, #tpu.memory_space<vmem>>
    %dma_wait3A_22 = tpu.memref_squeeze %dma_wait3A_21 : memref<1x4x128xi32, #tpu.memory_space<vmem>> -> memref<4x128xi32, #tpu.memory_space<vmem>>
    %dma_wait3A_23 = arith.constant 0 : i32
    %dma_wait3A_24 = tpu.memref_slice %arg2[%add3A_18, %dma_wait3A_23] : memref<6400x128xi32, #tpu.memory_space<hbm>> -> memref<4x128xi32, #tpu.memory_space<hbm>>
    %dma_wait3A_25 = arith.constant 0 : i32
    %dma_wait3A_26 = arith.constant 0 : i32
    %dma_wait3A_27 = tpu.memref_slice %arg5[%dma_wait3A, %dma_wait3A_25, %dma_wait3A_26] : memref<3x4x128xi32, #tpu.memory_space<vmem>> -> memref<1x4x128xi32, #tpu.memory_space<vmem>>
    %dma_wait3A_28 = tpu.memref_squeeze %dma_wait3A_27 : memref<1x4x128xi32, #tpu.memory_space<vmem>> -> memref<4x128xi32, #tpu.memory_space<vmem>>
    %dma_wait3A_29 = arith.constant 0 : i32
    %dma_wait3A_30 = tpu.memref_slice %arg2[%add3A_18, %dma_wait3A_29] : memref<6400x128xi32, #tpu.memory_space<hbm>> -> memref<4x128xi32, #tpu.memory_space<hbm>>
    tpu.wait_dma2 semaphore(%arg7 : memref<!tpu.dma_semaphore, #tpu.memory_space<semaphore_mem>>) src(%dma_wait3A_30 : memref<4x128xi32, #tpu.memory_space<hbm>>) dst(%dma_wait3A_28 : memref<4x128xi32, #tpu.memory_space<vmem>>)
    %dma_start3A_31 = arith.constant 0 : i32
    %dma_start3A_32 = arith.constant 0 : i32
    %dma_start3A_33 = arith.constant 0 : i32
    %dma_start3A_34 = arith.constant 0 : i32
    %dma_start3A_35 = arith.constant 0 : i32
    %dma_start3A_36 = tpu.memref_slice %arg6[%dma_start3A_33, %dma_start3A_34, %dma_start3A_35] : memref<3x512x64xf32, #tpu.memory_space<vmem>> -> memref<1x128x64xf32, #tpu.memory_space<vmem>>
    %dma_start3A_37 = tpu.memref_squeeze %dma_start3A_36 : memref<1x128x64xf32, #tpu.memory_space<vmem>> -> memref<128x64xf32, #tpu.memory_space<vmem>>
    %dma_start3A_38 = arith.constant 0 : i32
    %dma_start3A_39 = tpu.memref_slice %arg5[%dma_start3A_31, %dma_start3A_32, %dma_start3A_38] : memref<3x4x128xi32, #tpu.memory_space<vmem>> -> memref<1x1x128xi32, #tpu.memory_space<vmem>>
    %dma_start3A_40 = tpu.memref_squeeze %dma_start3A_39 : memref<1x1x128xi32, #tpu.memory_space<vmem>> -> memref<128xi32, #tpu.memory_space<vmem>>
    %dma_start3A_41 = arith.constant 0 : i32
    %dma_start3A_42 = arith.constant 0 : i32
    %dma_start3A_43 = tpu.memref_slice %arg3[%dma_start3A_41, %dma_start3A_42] : memref<1000000x64xf32, #tpu.memory_space<hbm>> -> memref<1000000x64xf32, #tpu.memory_space<hbm>>
    tpu.enqueue_indirect_dma source(%dma_start3A_43 : memref<1000000x64xf32, #tpu.memory_space<hbm>>) target(%dma_start3A_37 : memref<128x64xf32, #tpu.memory_space<vmem>>) offsets(%dma_start3A_40 : memref<128xi32, #tpu.memory_space<vmem>>) semaphore(%arg10 : memref<!tpu.dma_semaphore, #tpu.memory_space<semaphore_mem>>)
    %dma_start3A_44 = arith.constant 0 : i32
    %dma_start3A_45 = arith.constant 1 : i32
    %dma_start3A_46 = arith.constant 0 : i32
    %dma_start3A_47 = arith.constant 128 : i32
    %dma_start3A_48 = arith.constant 0 : i32
    %dma_start3A_49 = tpu.memref_slice %arg6[%dma_start3A_46, %dma_start3A_47, %dma_start3A_48] : memref<3x512x64xf32, #tpu.memory_space<vmem>> -> memref<1x128x64xf32, #tpu.memory_space<vmem>>
    %dma_start3A_50 = tpu.memref_squeeze %dma_start3A_49 : memref<1x128x64xf32, #tpu.memory_space<vmem>> -> memref<128x64xf32, #tpu.memory_space<vmem>>
    %dma_start3A_51 = arith.constant 0 : i32
    %dma_start3A_52 = tpu.memref_slice %arg5[%dma_start3A_44, %dma_start3A_45, %dma_start3A_51] : memref<3x4x128xi32, #tpu.memory_space<vmem>> -> memref<1x1x128xi32, #tpu.memory_space<vmem>>
    %dma_start3A_53 = tpu.memref_squeeze %dma_start3A_52 : memref<1x1x128xi32, #tpu.memory_space<vmem>> -> memref<128xi32, #tpu.memory_space<vmem>>
    %dma_start3A_54 = arith.constant 0 : i32
    %dma_start3A_55 = arith.constant 0 : i32
    %dma_start3A_56 = tpu.memref_slice %arg3[%dma_start3A_54, %dma_start3A_55] : memref<1000000x64xf32, #tpu.memory_space<hbm>> -> memref<1000000x64xf32, #tpu.memory_space<hbm>>
    tpu.enqueue_indirect_dma source(%dma_start3A_56 : memref<1000000x64xf32, #tpu.memory_space<hbm>>) target(%dma_start3A_50 : memref<128x64xf32, #tpu.memory_space<vmem>>) offsets(%dma_start3A_53 : memref<128xi32, #tpu.memory_space<vmem>>) semaphore(%arg10 : memref<!tpu.dma_semaphore, #tpu.memory_space<semaphore_mem>>)
    %dma_start3A_57 = arith.constant 0 : i32
    %dma_start3A_58 = arith.constant 2 : i32
    %dma_start3A_59 = arith.constant 0 : i32
    %dma_start3A_60 = arith.constant 256 : i32
    %dma_start3A_61 = arith.constant 0 : i32
    %dma_start3A_62 = tpu.memref_slice %arg6[%dma_start3A_59, %dma_start3A_60, %dma_start3A_61] : memref<3x512x64xf32, #tpu.memory_space<vmem>> -> memref<1x128x64xf32, #tpu.memory_space<vmem>>
    %dma_start3A_63 = tpu.memref_squeeze %dma_start3A_62 : memref<1x128x64xf32, #tpu.memory_space<vmem>> -> memref<128x64xf32, #tpu.memory_space<vmem>>
    %dma_start3A_64 = arith.constant 0 : i32
    %dma_start3A_65 = tpu.memref_slice %arg5[%dma_start3A_57, %dma_start3A_58, %dma_start3A_64] : memref<3x4x128xi32, #tpu.memory_space<vmem>> -> memref<1x1x128xi32, #tpu.memory_space<vmem>>
    %dma_start3A_66 = tpu.memref_squeeze %dma_start3A_65 : memref<1x1x128xi32, #tpu.memory_space<vmem>> -> memref<128xi32, #tpu.memory_space<vmem>>
    %dma_start3A_67 = arith.constant 0 : i32
    %dma_start3A_68 = arith.constant 0 : i32
    %dma_start3A_69 = tpu.memref_slice %arg3[%dma_start3A_67, %dma_start3A_68] : memref<1000000x64xf32, #tpu.memory_space<hbm>> -> memref<1000000x64xf32, #tpu.memory_space<hbm>>
    tpu.enqueue_indirect_dma source(%dma_start3A_69 : memref<1000000x64xf32, #tpu.memory_space<hbm>>) target(%dma_start3A_63 : memref<128x64xf32, #tpu.memory_space<vmem>>) offsets(%dma_start3A_66 : memref<128xi32, #tpu.memory_space<vmem>>) semaphore(%arg10 : memref<!tpu.dma_semaphore, #tpu.memory_space<semaphore_mem>>)
    %dma_start3A_70 = arith.constant 0 : i32
    %dma_start3A_71 = arith.constant 3 : i32
    %dma_start3A_72 = arith.constant 0 : i32
    %dma_start3A_73 = arith.constant 384 : i32
    %dma_start3A_74 = arith.constant 0 : i32
    %dma_start3A_75 = tpu.memref_slice %arg6[%dma_start3A_72, %dma_start3A_73, %dma_start3A_74] : memref<3x512x64xf32, #tpu.memory_space<vmem>> -> memref<1x128x64xf32, #tpu.memory_space<vmem>>
    %dma_start3A_76 = tpu.memref_squeeze %dma_start3A_75 : memref<1x128x64xf32, #tpu.memory_space<vmem>> -> memref<128x64xf32, #tpu.memory_space<vmem>>
    %dma_start3A_77 = arith.constant 0 : i32
    %dma_start3A_78 = tpu.memref_slice %arg5[%dma_start3A_70, %dma_start3A_71, %dma_start3A_77] : memref<3x4x128xi32, #tpu.memory_space<vmem>> -> memref<1x1x128xi32, #tpu.memory_space<vmem>>
    %dma_start3A_79 = tpu.memref_squeeze %dma_start3A_78 : memref<1x1x128xi32, #tpu.memory_space<vmem>> -> memref<128xi32, #tpu.memory_space<vmem>>
    %dma_start3A_80 = arith.constant 0 : i32
    %dma_start3A_81 = arith.constant 0 : i32
    %dma_start3A_82 = tpu.memref_slice %arg3[%dma_start3A_80, %dma_start3A_81] : memref<1000000x64xf32, #tpu.memory_space<hbm>> -> memref<1000000x64xf32, #tpu.memory_space<hbm>>
    tpu.enqueue_indirect_dma source(%dma_start3A_82 : memref<1000000x64xf32, #tpu.memory_space<hbm>>) target(%dma_start3A_76 : memref<128x64xf32, #tpu.memory_space<vmem>>) offsets(%dma_start3A_79 : memref<128xi32, #tpu.memory_space<vmem>>) semaphore(%arg10 : memref<!tpu.dma_semaphore, #tpu.memory_space<semaphore_mem>>)
    %add3A_83 = arith.constant 4 : i32
    %add3A_84 = arith.addi %mul3A_2, %add3A_83 : i32
    %dma_start3A_85 = arith.constant 1 : i32
    %dma_start3A_86 = arith.constant 0 : i32
    %dma_start3A_87 = arith.constant 0 : i32
    %dma_start3A_88 = tpu.memref_slice %arg5[%dma_start3A_85, %dma_start3A_86, %dma_start3A_87] : memref<3x4x128xi32, #tpu.memory_space<vmem>> -> memref<1x4x128xi32, #tpu.memory_space<vmem>>
    %dma_start3A_89 = tpu.memref_squeeze %dma_start3A_88 : memref<1x4x128xi32, #tpu.memory_space<vmem>> -> memref<4x128xi32, #tpu.memory_space<vmem>>
    %dma_start3A_90 = arith.constant 0 : i32
    %dma_start3A_91 = tpu.memref_slice %arg2[%add3A_84, %dma_start3A_90] : memref<6400x128xi32, #tpu.memory_space<hbm>> -> memref<4x128xi32, #tpu.memory_space<hbm>>
    %dma_start3A_92 = arith.constant 0 : i32
    %dma_start3A_93 = arith.constant 0 : i32
    %dma_start3A_94 = tpu.memref_slice %arg5[%dma_start3A_85, %dma_start3A_92, %dma_start3A_93] : memref<3x4x128xi32, #tpu.memory_space<vmem>> -> memref<1x4x128xi32, #tpu.memory_space<vmem>>
    %dma_start3A_95 = tpu.memref_squeeze %dma_start3A_94 : memref<1x4x128xi32, #tpu.memory_space<vmem>> -> memref<4x128xi32, #tpu.memory_space<vmem>>
    %dma_start3A_96 = arith.constant 0 : i32
    %dma_start3A_97 = tpu.memref_slice %arg2[%add3A_84, %dma_start3A_96] : memref<6400x128xi32, #tpu.memory_space<hbm>> -> memref<4x128xi32, #tpu.memory_space<hbm>>
    tpu.enqueue_dma source(%dma_start3A_97 : memref<4x128xi32, #tpu.memory_space<hbm>>) target(%dma_start3A_95 : memref<4x128xi32, #tpu.memory_space<vmem>>) target_semaphore(%arg8 : memref<!tpu.dma_semaphore, #tpu.memory_space<semaphore_mem>>)
    %scan3A = arith.constant 0 : i32
    %scan3A_98 = arith.constant 0 : i32
    %scan3A_99 = arith.constant 16 : i32
    %scan3A_100 = arith.addi %scan3A_98, %scan3A_99 : i32
    %scan3A_101 = arith.constant 1 : i32
    scf.for %scan3A_376 = %scan3A_98 to %scan3A_100 step %scan3A_101  : i32 {
      %mul3A_377 = arith.constant 3 : i32
      %mul3A_378 = arith.muli %scan3A_376, %mul3A_377 : i32
      %add3A_379 = arith.constant 1 : i32
      %add3A_380 = arith.addi %add3A_379, %mul3A_378 : i32
      %add3A_381 = arith.constant 0 : i32
      %add3A_382 = arith.addi %add3A_380, %add3A_381 : i32
      %mul3A_383 = arith.constant 4 : i32
      %mul3A_384 = arith.muli %add3A_382, %mul3A_383 : i32
      %add3A_385 = arith.addi %mul3A_2, %mul3A_384 : i32
      %dma_wait3A_386 = arith.constant 1 : i32
      %dma_wait3A_387 = arith.constant 0 : i32
      %dma_wait3A_388 = arith.constant 0 : i32
      %dma_wait3A_389 = tpu.memref_slice %arg5[%dma_wait3A_386, %dma_wait3A_387, %dma_wait3A_388] : memref<3x4x128xi32, #tpu.memory_space<vmem>> -> memref<1x4x128xi32, #tpu.memory_space<vmem>>
      %dma_wait3A_390 = tpu.memref_squeeze %dma_wait3A_389 : memref<1x4x128xi32, #tpu.memory_space<vmem>> -> memref<4x128xi32, #tpu.memory_space<vmem>>
      %dma_wait3A_391 = arith.constant 0 : i32
      %dma_wait3A_392 = tpu.memref_slice %arg2[%add3A_385, %dma_wait3A_391] : memref<6400x128xi32, #tpu.memory_space<hbm>> -> memref<4x128xi32, #tpu.memory_space<hbm>>
      %dma_wait3A_393 = arith.constant 0 : i32
      %dma_wait3A_394 = arith.constant 0 : i32
      %dma_wait3A_395 = tpu.memref_slice %arg5[%dma_wait3A_386, %dma_wait3A_393, %dma_wait3A_394] : memref<3x4x128xi32, #tpu.memory_space<vmem>> -> memref<1x4x128xi32, #tpu.memory_space<vmem>>
      %dma_wait3A_396 = tpu.memref_squeeze %dma_wait3A_395 : memref<1x4x128xi32, #tpu.memory_space<vmem>> -> memref<4x128xi32, #tpu.memory_space<vmem>>
      %dma_wait3A_397 = arith.constant 0 : i32
      %dma_wait3A_398 = tpu.memref_slice %arg2[%add3A_385, %dma_wait3A_397] : memref<6400x128xi32, #tpu.memory_space<hbm>> -> memref<4x128xi32, #tpu.memory_space<hbm>>
      tpu.wait_dma2 semaphore(%arg8 : memref<!tpu.dma_semaphore, #tpu.memory_space<semaphore_mem>>) src(%dma_wait3A_398 : memref<4x128xi32, #tpu.memory_space<hbm>>) dst(%dma_wait3A_396 : memref<4x128xi32, #tpu.memory_space<vmem>>)
      %ge3A = arith.constant 3 : i32
      %ge3A_399 = arith.cmpi sge, %add3A_382, %ge3A : i32
      %convert_element_type3A = arith.extui %ge3A_399 : i1 to i32
      %cond3A = arith.constant 0 : i32
      %cond3A_400 = arith.cmpi ne, %convert_element_type3A, %cond3A : i32
      scf.if %cond3A_400 {
        %sub3A_880 = arith.constant 3 : i32
        %sub3A_881 = arith.subi %add3A_382, %sub3A_880 : i32
        %mul3A_882 = arith.constant 4 : i32
        %mul3A_883 = arith.muli %sub3A_881, %mul3A_882 : i32
        %add3A_884 = arith.addi %mul3A_2, %mul3A_883 : i32
        %mul3A_885 = arith.constant 128 : i32
        %mul3A_886 = arith.muli %add3A_884, %mul3A_885 : i32
        %dma_wait3A_887 = arith.constant 1 : i32
        %dma_wait3A_888 = arith.constant 0 : i32
        %dma_wait3A_889 = arith.constant 0 : i32
        %dma_wait3A_890 = tpu.memref_slice %arg6[%dma_wait3A_887, %dma_wait3A_888, %dma_wait3A_889] : memref<3x512x64xf32, #tpu.memory_space<vmem>> -> memref<1x512x64xf32, #tpu.memory_space<vmem>>
        %dma_wait3A_891 = tpu.memref_squeeze %dma_wait3A_890 : memref<1x512x64xf32, #tpu.memory_space<vmem>> -> memref<512x64xf32, #tpu.memory_space<vmem>>
        %dma_wait3A_892 = arith.constant 0 : i32
        %dma_wait3A_893 = tpu.memref_slice %arg4[%mul3A_886, %dma_wait3A_892] : memref<819200x128xf32, #tpu.memory_space<hbm>> -> memref<512x64xf32, #tpu.memory_space<hbm>>
        %dma_wait3A_894 = arith.constant 0 : i32
        %dma_wait3A_895 = tpu.memref_slice %arg4[%mul3A_886, %dma_wait3A_894] : memref<819200x128xf32, #tpu.memory_space<hbm>> -> memref<512x64xf32, #tpu.memory_space<hbm>>
        %dma_wait3A_896 = arith.constant 0 : i32
        %dma_wait3A_897 = arith.constant 0 : i32
        %dma_wait3A_898 = tpu.memref_slice %arg6[%dma_wait3A_887, %dma_wait3A_896, %dma_wait3A_897] : memref<3x512x64xf32, #tpu.memory_space<vmem>> -> memref<1x512x64xf32, #tpu.memory_space<vmem>>
        %dma_wait3A_899 = tpu.memref_squeeze %dma_wait3A_898 : memref<1x512x64xf32, #tpu.memory_space<vmem>> -> memref<512x64xf32, #tpu.memory_space<vmem>>
        tpu.wait_dma2 semaphore(%arg14 : memref<!tpu.dma_semaphore, #tpu.memory_space<semaphore_mem>>) src(%dma_wait3A_899 : memref<512x64xf32, #tpu.memory_space<vmem>>) dst(%dma_wait3A_895 : memref<512x64xf32, #tpu.memory_space<hbm>>)
      } else {
      }
      %dma_start3A_401 = arith.constant 1 : i32
      %dma_start3A_402 = arith.constant 0 : i32
      %dma_start3A_403 = arith.constant 1 : i32
      %dma_start3A_404 = arith.constant 0 : i32
      %dma_start3A_405 = arith.constant 0 : i32
      %dma_start3A_406 = tpu.memref_slice %arg6[%dma_start3A_403, %dma_start3A_404, %dma_start3A_405] : memref<3x512x64xf32, #tpu.memory_space<vmem>> -> memref<1x128x64xf32, #tpu.memory_space<vmem>>
      %dma_start3A_407 = tpu.memref_squeeze %dma_start3A_406 : memref<1x128x64xf32, #tpu.memory_space<vmem>> -> memref<128x64xf32, #tpu.memory_space<vmem>>
      %dma_start3A_408 = arith.constant 0 : i32
      %dma_start3A_409 = tpu.memref_slice %arg5[%dma_start3A_401, %dma_start3A_402, %dma_start3A_408] : memref<3x4x128xi32, #tpu.memory_space<vmem>> -> memref<1x1x128xi32, #tpu.memory_space<vmem>>
      %dma_start3A_410 = tpu.memref_squeeze %dma_start3A_409 : memref<1x1x128xi32, #tpu.memory_space<vmem>> -> memref<128xi32, #tpu.memory_space<vmem>>
      %dma_start3A_411 = arith.constant 0 : i32
      %dma_start3A_412 = arith.constant 0 : i32
      %dma_start3A_413 = tpu.memref_slice %arg3[%dma_start3A_411, %dma_start3A_412] : memref<1000000x64xf32, #tpu.memory_space<hbm>> -> memref<1000000x64xf32, #tpu.memory_space<hbm>>
      tpu.enqueue_indirect_dma source(%dma_start3A_413 : memref<1000000x64xf32, #tpu.memory_space<hbm>>) target(%dma_start3A_407 : memref<128x64xf32, #tpu.memory_space<vmem>>) offsets(%dma_start3A_410 : memref<128xi32, #tpu.memory_space<vmem>>) semaphore(%arg11 : memref<!tpu.dma_semaphore, #tpu.memory_space<semaphore_mem>>)
      %dma_start3A_414 = arith.constant 1 : i32
      %dma_start3A_415 = arith.constant 1 : i32
      %dma_start3A_416 = arith.constant 1 : i32
      %dma_start3A_417 = arith.constant 128 : i32
      %dma_start3A_418 = arith.constant 0 : i32
      %dma_start3A_419 = tpu.memref_slice %arg6[%dma_start3A_416, %dma_start3A_417, %dma_start3A_418] : memref<3x512x64xf32, #tpu.memory_space<vmem>> -> memref<1x128x64xf32, #tpu.memory_space<vmem>>
      %dma_start3A_420 = tpu.memref_squeeze %dma_start3A_419 : memref<1x128x64xf32, #tpu.memory_space<vmem>> -> memref<128x64xf32, #tpu.memory_space<vmem>>
      %dma_start3A_421 = arith.constant 0 : i32
      %dma_start3A_422 = tpu.memref_slice %arg5[%dma_start3A_414, %dma_start3A_415, %dma_start3A_421] : memref<3x4x128xi32, #tpu.memory_space<vmem>> -> memref<1x1x128xi32, #tpu.memory_space<vmem>>
      %dma_start3A_423 = tpu.memref_squeeze %dma_start3A_422 : memref<1x1x128xi32, #tpu.memory_space<vmem>> -> memref<128xi32, #tpu.memory_space<vmem>>
      %dma_start3A_424 = arith.constant 0 : i32
      %dma_start3A_425 = arith.constant 0 : i32
      %dma_start3A_426 = tpu.memref_slice %arg3[%dma_start3A_424, %dma_start3A_425] : memref<1000000x64xf32, #tpu.memory_space<hbm>> -> memref<1000000x64xf32, #tpu.memory_space<hbm>>
      tpu.enqueue_indirect_dma source(%dma_start3A_426 : memref<1000000x64xf32, #tpu.memory_space<hbm>>) target(%dma_start3A_420 : memref<128x64xf32, #tpu.memory_space<vmem>>) offsets(%dma_start3A_423 : memref<128xi32, #tpu.memory_space<vmem>>) semaphore(%arg11 : memref<!tpu.dma_semaphore, #tpu.memory_space<semaphore_mem>>)
      %dma_start3A_427 = arith.constant 1 : i32
      %dma_start3A_428 = arith.constant 2 : i32
      %dma_start3A_429 = arith.constant 1 : i32
      %dma_start3A_430 = arith.constant 256 : i32
      %dma_start3A_431 = arith.constant 0 : i32
      %dma_start3A_432 = tpu.memref_slice %arg6[%dma_start3A_429, %dma_start3A_430, %dma_start3A_431] : memref<3x512x64xf32, #tpu.memory_space<vmem>> -> memref<1x128x64xf32, #tpu.memory_space<vmem>>
      %dma_start3A_433 = tpu.memref_squeeze %dma_start3A_432 : memref<1x128x64xf32, #tpu.memory_space<vmem>> -> memref<128x64xf32, #tpu.memory_space<vmem>>
      %dma_start3A_434 = arith.constant 0 : i32
      %dma_start3A_435 = tpu.memref_slice %arg5[%dma_start3A_427, %dma_start3A_428, %dma_start3A_434] : memref<3x4x128xi32, #tpu.memory_space<vmem>> -> memref<1x1x128xi32, #tpu.memory_space<vmem>>
      %dma_start3A_436 = tpu.memref_squeeze %dma_start3A_435 : memref<1x1x128xi32, #tpu.memory_space<vmem>> -> memref<128xi32, #tpu.memory_space<vmem>>
      %dma_start3A_437 = arith.constant 0 : i32
      %dma_start3A_438 = arith.constant 0 : i32
      %dma_start3A_439 = tpu.memref_slice %arg3[%dma_start3A_437, %dma_start3A_438] : memref<1000000x64xf32, #tpu.memory_space<hbm>> -> memref<1000000x64xf32, #tpu.memory_space<hbm>>
      tpu.enqueue_indirect_dma source(%dma_start3A_439 : memref<1000000x64xf32, #tpu.memory_space<hbm>>) target(%dma_start3A_433 : memref<128x64xf32, #tpu.memory_space<vmem>>) offsets(%dma_start3A_436 : memref<128xi32, #tpu.memory_space<vmem>>) semaphore(%arg11 : memref<!tpu.dma_semaphore, #tpu.memory_space<semaphore_mem>>)
      %dma_start3A_440 = arith.constant 1 : i32
      %dma_start3A_441 = arith.constant 3 : i32
      %dma_start3A_442 = arith.constant 1 : i32
      %dma_start3A_443 = arith.constant 384 : i32
      %dma_start3A_444 = arith.constant 0 : i32
      %dma_start3A_445 = tpu.memref_slice %arg6[%dma_start3A_442, %dma_start3A_443, %dma_start3A_444] : memref<3x512x64xf32, #tpu.memory_space<vmem>> -> memref<1x128x64xf32, #tpu.memory_space<vmem>>
      %dma_start3A_446 = tpu.memref_squeeze %dma_start3A_445 : memref<1x128x64xf32, #tpu.memory_space<vmem>> -> memref<128x64xf32, #tpu.memory_space<vmem>>
      %dma_start3A_447 = arith.constant 0 : i32
      %dma_start3A_448 = tpu.memref_slice %arg5[%dma_start3A_440, %dma_start3A_441, %dma_start3A_447] : memref<3x4x128xi32, #tpu.memory_space<vmem>> -> memref<1x1x128xi32, #tpu.memory_space<vmem>>
      %dma_start3A_449 = tpu.memref_squeeze %dma_start3A_448 : memref<1x1x128xi32, #tpu.memory_space<vmem>> -> memref<128xi32, #tpu.memory_space<vmem>>
      %dma_start3A_450 = arith.constant 0 : i32
      %dma_start3A_451 = arith.constant 0 : i32
      %dma_start3A_452 = tpu.memref_slice %arg3[%dma_start3A_450, %dma_start3A_451] : memref<1000000x64xf32, #tpu.memory_space<hbm>> -> memref<1000000x64xf32, #tpu.memory_space<hbm>>
      tpu.enqueue_indirect_dma source(%dma_start3A_452 : memref<1000000x64xf32, #tpu.memory_space<hbm>>) target(%dma_start3A_446 : memref<128x64xf32, #tpu.memory_space<vmem>>) offsets(%dma_start3A_449 : memref<128xi32, #tpu.memory_space<vmem>>) semaphore(%arg11 : memref<!tpu.dma_semaphore, #tpu.memory_space<semaphore_mem>>)
      %add3A_453 = arith.constant 1 : i32
      %add3A_454 = arith.addi %add3A_382, %add3A_453 : i32
      %mul3A_455 = arith.constant 4 : i32
      %mul3A_456 = arith.muli %add3A_454, %mul3A_455 : i32
      %add3A_457 = arith.addi %mul3A_2, %mul3A_456 : i32
      %dma_start3A_458 = arith.constant 2 : i32
      %dma_start3A_459 = arith.constant 0 : i32
      %dma_start3A_460 = arith.constant 0 : i32
      %dma_start3A_461 = tpu.memref_slice %arg5[%dma_start3A_458, %dma_start3A_459, %dma_start3A_460] : memref<3x4x128xi32, #tpu.memory_space<vmem>> -> memref<1x4x128xi32, #tpu.memory_space<vmem>>
      %dma_start3A_462 = tpu.memref_squeeze %dma_start3A_461 : memref<1x4x128xi32, #tpu.memory_space<vmem>> -> memref<4x128xi32, #tpu.memory_space<vmem>>
      %dma_start3A_463 = arith.constant 0 : i32
      %dma_start3A_464 = tpu.memref_slice %arg2[%add3A_457, %dma_start3A_463] : memref<6400x128xi32, #tpu.memory_space<hbm>> -> memref<4x128xi32, #tpu.memory_space<hbm>>
      %dma_start3A_465 = arith.constant 0 : i32
      %dma_start3A_466 = arith.constant 0 : i32
      %dma_start3A_467 = tpu.memref_slice %arg5[%dma_start3A_458, %dma_start3A_465, %dma_start3A_466] : memref<3x4x128xi32, #tpu.memory_space<vmem>> -> memref<1x4x128xi32, #tpu.memory_space<vmem>>
      %dma_start3A_468 = tpu.memref_squeeze %dma_start3A_467 : memref<1x4x128xi32, #tpu.memory_space<vmem>> -> memref<4x128xi32, #tpu.memory_space<vmem>>
      %dma_start3A_469 = arith.constant 0 : i32
      %dma_start3A_470 = tpu.memref_slice %arg2[%add3A_457, %dma_start3A_469] : memref<6400x128xi32, #tpu.memory_space<hbm>> -> memref<4x128xi32, #tpu.memory_space<hbm>>
      tpu.enqueue_dma source(%dma_start3A_470 : memref<4x128xi32, #tpu.memory_space<hbm>>) target(%dma_start3A_468 : memref<4x128xi32, #tpu.memory_space<vmem>>) target_semaphore(%arg9 : memref<!tpu.dma_semaphore, #tpu.memory_space<semaphore_mem>>)
      %sub3A = arith.constant 1 : i32
      %sub3A_471 = arith.subi %add3A_382, %sub3A : i32
      %dma_wait3A_472 = arith.constant 0 : i32
      %dma_wait3A_473 = arith.constant 0 : i32
      %dma_wait3A_474 = arith.constant 0 : i32
      %dma_wait3A_475 = arith.constant 0 : i32
      %dma_wait3A_476 = arith.constant 0 : i32
      %dma_wait3A_477 = tpu.memref_slice %arg6[%dma_wait3A_474, %dma_wait3A_475, %dma_wait3A_476] : memref<3x512x64xf32, #tpu.memory_space<vmem>> -> memref<1x128x64xf32, #tpu.memory_space<vmem>>
      %dma_wait3A_478 = tpu.memref_squeeze %dma_wait3A_477 : memref<1x128x64xf32, #tpu.memory_space<vmem>> -> memref<128x64xf32, #tpu.memory_space<vmem>>
      %dma_wait3A_479 = arith.constant 0 : i32
      %dma_wait3A_480 = tpu.memref_slice %arg5[%dma_wait3A_472, %dma_wait3A_473, %dma_wait3A_479] : memref<3x4x128xi32, #tpu.memory_space<vmem>> -> memref<1x1x128xi32, #tpu.memory_space<vmem>>
      %dma_wait3A_481 = tpu.memref_squeeze %dma_wait3A_480 : memref<1x1x128xi32, #tpu.memory_space<vmem>> -> memref<128xi32, #tpu.memory_space<vmem>>
      %dma_wait3A_482 = arith.constant 0 : i32
      %dma_wait3A_483 = arith.constant 0 : i32
      %dma_wait3A_484 = tpu.memref_slice %arg3[%dma_wait3A_482, %dma_wait3A_483] : memref<1000000x64xf32, #tpu.memory_space<hbm>> -> memref<1000000x64xf32, #tpu.memory_space<hbm>>
      tpu.wait_indirect_dma semaphore(%arg10 : memref<!tpu.dma_semaphore, #tpu.memory_space<semaphore_mem>>) src(%dma_wait3A_484 : memref<1000000x64xf32, #tpu.memory_space<hbm>>) dst(%dma_wait3A_478 : memref<128x64xf32, #tpu.memory_space<vmem>>)
      %dma_wait3A_485 = arith.constant 0 : i32
      %dma_wait3A_486 = arith.constant 1 : i32
      %dma_wait3A_487 = arith.constant 0 : i32
      %dma_wait3A_488 = arith.constant 128 : i32
      %dma_wait3A_489 = arith.constant 0 : i32
      %dma_wait3A_490 = tpu.memref_slice %arg6[%dma_wait3A_487, %dma_wait3A_488, %dma_wait3A_489] : memref<3x512x64xf32, #tpu.memory_space<vmem>> -> memref<1x128x64xf32, #tpu.memory_space<vmem>>
      %dma_wait3A_491 = tpu.memref_squeeze %dma_wait3A_490 : memref<1x128x64xf32, #tpu.memory_space<vmem>> -> memref<128x64xf32, #tpu.memory_space<vmem>>
      %dma_wait3A_492 = arith.constant 0 : i32
      %dma_wait3A_493 = tpu.memref_slice %arg5[%dma_wait3A_485, %dma_wait3A_486, %dma_wait3A_492] : memref<3x4x128xi32, #tpu.memory_space<vmem>> -> memref<1x1x128xi32, #tpu.memory_space<vmem>>
      %dma_wait3A_494 = tpu.memref_squeeze %dma_wait3A_493 : memref<1x1x128xi32, #tpu.memory_space<vmem>> -> memref<128xi32, #tpu.memory_space<vmem>>
      %dma_wait3A_495 = arith.constant 0 : i32
      %dma_wait3A_496 = arith.constant 0 : i32
      %dma_wait3A_497 = tpu.memref_slice %arg3[%dma_wait3A_495, %dma_wait3A_496] : memref<1000000x64xf32, #tpu.memory_space<hbm>> -> memref<1000000x64xf32, #tpu.memory_space<hbm>>
      tpu.wait_indirect_dma semaphore(%arg10 : memref<!tpu.dma_semaphore, #tpu.memory_space<semaphore_mem>>) src(%dma_wait3A_497 : memref<1000000x64xf32, #tpu.memory_space<hbm>>) dst(%dma_wait3A_491 : memref<128x64xf32, #tpu.memory_space<vmem>>)
      %dma_wait3A_498 = arith.constant 0 : i32
      %dma_wait3A_499 = arith.constant 2 : i32
      %dma_wait3A_500 = arith.constant 0 : i32
      %dma_wait3A_501 = arith.constant 256 : i32
      %dma_wait3A_502 = arith.constant 0 : i32
      %dma_wait3A_503 = tpu.memref_slice %arg6[%dma_wait3A_500, %dma_wait3A_501, %dma_wait3A_502] : memref<3x512x64xf32, #tpu.memory_space<vmem>> -> memref<1x128x64xf32, #tpu.memory_space<vmem>>
      %dma_wait3A_504 = tpu.memref_squeeze %dma_wait3A_503 : memref<1x128x64xf32, #tpu.memory_space<vmem>> -> memref<128x64xf32, #tpu.memory_space<vmem>>
      %dma_wait3A_505 = arith.constant 0 : i32
      %dma_wait3A_506 = tpu.memref_slice %arg5[%dma_wait3A_498, %dma_wait3A_499, %dma_wait3A_505] : memref<3x4x128xi32, #tpu.memory_space<vmem>> -> memref<1x1x128xi32, #tpu.memory_space<vmem>>
      %dma_wait3A_507 = tpu.memref_squeeze %dma_wait3A_506 : memref<1x1x128xi32, #tpu.memory_space<vmem>> -> memref<128xi32, #tpu.memory_space<vmem>>
      %dma_wait3A_508 = arith.constant 0 : i32
      %dma_wait3A_509 = arith.constant 0 : i32
      %dma_wait3A_510 = tpu.memref_slice %arg3[%dma_wait3A_508, %dma_wait3A_509] : memref<1000000x64xf32, #tpu.memory_space<hbm>> -> memref<1000000x64xf32, #tpu.memory_space<hbm>>
      tpu.wait_indirect_dma semaphore(%arg10 : memref<!tpu.dma_semaphore, #tpu.memory_space<semaphore_mem>>) src(%dma_wait3A_510 : memref<1000000x64xf32, #tpu.memory_space<hbm>>) dst(%dma_wait3A_504 : memref<128x64xf32, #tpu.memory_space<vmem>>)
      %dma_wait3A_511 = arith.constant 0 : i32
      %dma_wait3A_512 = arith.constant 3 : i32
      %dma_wait3A_513 = arith.constant 0 : i32
      %dma_wait3A_514 = arith.constant 384 : i32
      %dma_wait3A_515 = arith.constant 0 : i32
      %dma_wait3A_516 = tpu.memref_slice %arg6[%dma_wait3A_513, %dma_wait3A_514, %dma_wait3A_515] : memref<3x512x64xf32, #tpu.memory_space<vmem>> -> memref<1x128x64xf32, #tpu.memory_space<vmem>>
      %dma_wait3A_517 = tpu.memref_squeeze %dma_wait3A_516 : memref<1x128x64xf32, #tpu.memory_space<vmem>> -> memref<128x64xf32, #tpu.memory_space<vmem>>
      %dma_wait3A_518 = arith.constant 0 : i32
      %dma_wait3A_519 = tpu.memref_slice %arg5[%dma_wait3A_511, %dma_wait3A_512, %dma_wait3A_518] : memref<3x4x128xi32, #tpu.memory_space<vmem>> -> memref<1x1x128xi32, #tpu.memory_space<vmem>>
      %dma_wait3A_520 = tpu.memref_squeeze %dma_wait3A_519 : memref<1x1x128xi32, #tpu.memory_space<vmem>> -> memref<128xi32, #tpu.memory_space<vmem>>
      %dma_wait3A_521 = arith.constant 0 : i32
      %dma_wait3A_522 = arith.constant 0 : i32
      %dma_wait3A_523 = tpu.memref_slice %arg3[%dma_wait3A_521, %dma_wait3A_522] : memref<1000000x64xf32, #tpu.memory_space<hbm>> -> memref<1000000x64xf32, #tpu.memory_space<hbm>>
      tpu.wait_indirect_dma semaphore(%arg10 : memref<!tpu.dma_semaphore, #tpu.memory_space<semaphore_mem>>) src(%dma_wait3A_523 : memref<1000000x64xf32, #tpu.memory_space<hbm>>) dst(%dma_wait3A_517 : memref<128x64xf32, #tpu.memory_space<vmem>>)
      %mul3A_524 = arith.constant 4 : i32
      %mul3A_525 = arith.muli %sub3A_471, %mul3A_524 : i32
      %add3A_526 = arith.addi %mul3A_2, %mul3A_525 : i32
      %mul3A_527 = arith.constant 128 : i32
      %mul3A_528 = arith.muli %add3A_526, %mul3A_527 : i32
      %dma_start3A_529 = arith.constant 0 : i32
      %dma_start3A_530 = arith.constant 0 : i32
      %dma_start3A_531 = arith.constant 0 : i32
      %dma_start3A_532 = tpu.memref_slice %arg6[%dma_start3A_529, %dma_start3A_530, %dma_start3A_531] : memref<3x512x64xf32, #tpu.memory_space<vmem>> -> memref<1x512x64xf32, #tpu.memory_space<vmem>>
      %dma_start3A_533 = tpu.memref_squeeze %dma_start3A_532 : memref<1x512x64xf32, #tpu.memory_space<vmem>> -> memref<512x64xf32, #tpu.memory_space<vmem>>
      %dma_start3A_534 = arith.constant 0 : i32
      %dma_start3A_535 = tpu.memref_slice %arg4[%mul3A_528, %dma_start3A_534] : memref<819200x128xf32, #tpu.memory_space<hbm>> -> memref<512x64xf32, #tpu.memory_space<hbm>>
      %dma_start3A_536 = arith.constant 0 : i32
      %dma_start3A_537 = tpu.memref_slice %arg4[%mul3A_528, %dma_start3A_536] : memref<819200x128xf32, #tpu.memory_space<hbm>> -> memref<512x64xf32, #tpu.memory_space<hbm>>
      %dma_start3A_538 = arith.constant 0 : i32
      %dma_start3A_539 = arith.constant 0 : i32
      %dma_start3A_540 = tpu.memref_slice %arg6[%dma_start3A_529, %dma_start3A_538, %dma_start3A_539] : memref<3x512x64xf32, #tpu.memory_space<vmem>> -> memref<1x512x64xf32, #tpu.memory_space<vmem>>
      %dma_start3A_541 = tpu.memref_squeeze %dma_start3A_540 : memref<1x512x64xf32, #tpu.memory_space<vmem>> -> memref<512x64xf32, #tpu.memory_space<vmem>>
      tpu.enqueue_dma source(%dma_start3A_541 : memref<512x64xf32, #tpu.memory_space<vmem>>) target(%dma_start3A_537 : memref<512x64xf32, #tpu.memory_space<hbm>>) target_semaphore(%arg13 : memref<!tpu.dma_semaphore, #tpu.memory_space<semaphore_mem>>)
      %mul3A_542 = arith.constant 3 : i32
      %mul3A_543 = arith.muli %scan3A_376, %mul3A_542 : i32
      %add3A_544 = arith.constant 1 : i32
      %add3A_545 = arith.addi %add3A_544, %mul3A_543 : i32
      %add3A_546 = arith.constant 1 : i32
      %add3A_547 = arith.addi %add3A_545, %add3A_546 : i32
      %mul3A_548 = arith.constant 4 : i32
      %mul3A_549 = arith.muli %add3A_547, %mul3A_548 : i32
      %add3A_550 = arith.addi %mul3A_2, %mul3A_549 : i32
      %dma_wait3A_551 = arith.constant 2 : i32
      %dma_wait3A_552 = arith.constant 0 : i32
      %dma_wait3A_553 = arith.constant 0 : i32
      %dma_wait3A_554 = tpu.memref_slice %arg5[%dma_wait3A_551, %dma_wait3A_552, %dma_wait3A_553] : memref<3x4x128xi32, #tpu.memory_space<vmem>> -> memref<1x4x128xi32, #tpu.memory_space<vmem>>
      %dma_wait3A_555 = tpu.memref_squeeze %dma_wait3A_554 : memref<1x4x128xi32, #tpu.memory_space<vmem>> -> memref<4x128xi32, #tpu.memory_space<vmem>>
      %dma_wait3A_556 = arith.constant 0 : i32
      %dma_wait3A_557 = tpu.memref_slice %arg2[%add3A_550, %dma_wait3A_556] : memref<6400x128xi32, #tpu.memory_space<hbm>> -> memref<4x128xi32, #tpu.memory_space<hbm>>
      %dma_wait3A_558 = arith.constant 0 : i32
      %dma_wait3A_559 = arith.constant 0 : i32
      %dma_wait3A_560 = tpu.memref_slice %arg5[%dma_wait3A_551, %dma_wait3A_558, %dma_wait3A_559] : memref<3x4x128xi32, #tpu.memory_space<vmem>> -> memref<1x4x128xi32, #tpu.memory_space<vmem>>
      %dma_wait3A_561 = tpu.memref_squeeze %dma_wait3A_560 : memref<1x4x128xi32, #tpu.memory_space<vmem>> -> memref<4x128xi32, #tpu.memory_space<vmem>>
      %dma_wait3A_562 = arith.constant 0 : i32
      %dma_wait3A_563 = tpu.memref_slice %arg2[%add3A_550, %dma_wait3A_562] : memref<6400x128xi32, #tpu.memory_space<hbm>> -> memref<4x128xi32, #tpu.memory_space<hbm>>
      tpu.wait_dma2 semaphore(%arg9 : memref<!tpu.dma_semaphore, #tpu.memory_space<semaphore_mem>>) src(%dma_wait3A_563 : memref<4x128xi32, #tpu.memory_space<hbm>>) dst(%dma_wait3A_561 : memref<4x128xi32, #tpu.memory_space<vmem>>)
      %ge3A_564 = arith.constant 3 : i32
      %ge3A_565 = arith.cmpi sge, %add3A_547, %ge3A_564 : i32
      %convert_element_type3A_566 = arith.extui %ge3A_565 : i1 to i32
      %cond3A_567 = arith.constant 0 : i32
      %cond3A_568 = arith.cmpi ne, %convert_element_type3A_566, %cond3A_567 : i32
      scf.if %cond3A_568 {
        %sub3A_880 = arith.constant 3 : i32
        %sub3A_881 = arith.subi %add3A_547, %sub3A_880 : i32
        %mul3A_882 = arith.constant 4 : i32
        %mul3A_883 = arith.muli %sub3A_881, %mul3A_882 : i32
        %add3A_884 = arith.addi %mul3A_2, %mul3A_883 : i32
        %mul3A_885 = arith.constant 128 : i32
        %mul3A_886 = arith.muli %add3A_884, %mul3A_885 : i32
        %dma_wait3A_887 = arith.constant 2 : i32
        %dma_wait3A_888 = arith.constant 0 : i32
        %dma_wait3A_889 = arith.constant 0 : i32
        %dma_wait3A_890 = tpu.memref_slice %arg6[%dma_wait3A_887, %dma_wait3A_888, %dma_wait3A_889] : memref<3x512x64xf32, #tpu.memory_space<vmem>> -> memref<1x512x64xf32, #tpu.memory_space<vmem>>
        %dma_wait3A_891 = tpu.memref_squeeze %dma_wait3A_890 : memref<1x512x64xf32, #tpu.memory_space<vmem>> -> memref<512x64xf32, #tpu.memory_space<vmem>>
        %dma_wait3A_892 = arith.constant 0 : i32
        %dma_wait3A_893 = tpu.memref_slice %arg4[%mul3A_886, %dma_wait3A_892] : memref<819200x128xf32, #tpu.memory_space<hbm>> -> memref<512x64xf32, #tpu.memory_space<hbm>>
        %dma_wait3A_894 = arith.constant 0 : i32
        %dma_wait3A_895 = tpu.memref_slice %arg4[%mul3A_886, %dma_wait3A_894] : memref<819200x128xf32, #tpu.memory_space<hbm>> -> memref<512x64xf32, #tpu.memory_space<hbm>>
        %dma_wait3A_896 = arith.constant 0 : i32
        %dma_wait3A_897 = arith.constant 0 : i32
        %dma_wait3A_898 = tpu.memref_slice %arg6[%dma_wait3A_887, %dma_wait3A_896, %dma_wait3A_897] : memref<3x512x64xf32, #tpu.memory_space<vmem>> -> memref<1x512x64xf32, #tpu.memory_space<vmem>>
        %dma_wait3A_899 = tpu.memref_squeeze %dma_wait3A_898 : memref<1x512x64xf32, #tpu.memory_space<vmem>> -> memref<512x64xf32, #tpu.memory_space<vmem>>
        tpu.wait_dma2 semaphore(%arg15 : memref<!tpu.dma_semaphore, #tpu.memory_space<semaphore_mem>>) src(%dma_wait3A_899 : memref<512x64xf32, #tpu.memory_space<vmem>>) dst(%dma_wait3A_895 : memref<512x64xf32, #tpu.memory_space<hbm>>)
      } else {
      }
      %dma_start3A_569 = arith.constant 2 : i32
      %dma_start3A_570 = arith.constant 0 : i32
      %dma_start3A_571 = arith.constant 2 : i32
      %dma_start3A_572 = arith.constant 0 : i32
      %dma_start3A_573 = arith.constant 0 : i32
      %dma_start3A_574 = tpu.memref_slice %arg6[%dma_start3A_571, %dma_start3A_572, %dma_start3A_573] : memref<3x512x64xf32, #tpu.memory_space<vmem>> -> memref<1x128x64xf32, #tpu.memory_space<vmem>>
      %dma_start3A_575 = tpu.memref_squeeze %dma_start3A_574 : memref<1x128x64xf32, #tpu.memory_space<vmem>> -> memref<128x64xf32, #tpu.memory_space<vmem>>
      %dma_start3A_576 = arith.constant 0 : i32
      %dma_start3A_577 = tpu.memref_slice %arg5[%dma_start3A_569, %dma_start3A_570, %dma_start3A_576] : memref<3x4x128xi32, #tpu.memory_space<vmem>> -> memref<1x1x128xi32, #tpu.memory_space<vmem>>
      %dma_start3A_578 = tpu.memref_squeeze %dma_start3A_577 : memref<1x1x128xi32, #tpu.memory_space<vmem>> -> memref<128xi32, #tpu.memory_space<vmem>>
      %dma_start3A_579 = arith.constant 0 : i32
      %dma_start3A_580 = arith.constant 0 : i32
      %dma_start3A_581 = tpu.memref_slice %arg3[%dma_start3A_579, %dma_start3A_580] : memref<1000000x64xf32, #tpu.memory_space<hbm>> -> memref<1000000x64xf32, #tpu.memory_space<hbm>>
      tpu.enqueue_indirect_dma source(%dma_start3A_581 : memref<1000000x64xf32, #tpu.memory_space<hbm>>) target(%dma_start3A_575 : memref<128x64xf32, #tpu.memory_space<vmem>>) offsets(%dma_start3A_578 : memref<128xi32, #tpu.memory_space<vmem>>) semaphore(%arg12 : memref<!tpu.dma_semaphore, #tpu.memory_space<semaphore_mem>>)
      %dma_start3A_582 = arith.constant 2 : i32
      %dma_start3A_583 = arith.constant 1 : i32
      %dma_start3A_584 = arith.constant 2 : i32
      %dma_start3A_585 = arith.constant 128 : i32
      %dma_start3A_586 = arith.constant 0 : i32
      %dma_start3A_587 = tpu.memref_slice %arg6[%dma_start3A_584, %dma_start3A_585, %dma_start3A_586] : memref<3x512x64xf32, #tpu.memory_space<vmem>> -> memref<1x128x64xf32, #tpu.memory_space<vmem>>
      %dma_start3A_588 = tpu.memref_squeeze %dma_start3A_587 : memref<1x128x64xf32, #tpu.memory_space<vmem>> -> memref<128x64xf32, #tpu.memory_space<vmem>>
      %dma_start3A_589 = arith.constant 0 : i32
      %dma_start3A_590 = tpu.memref_slice %arg5[%dma_start3A_582, %dma_start3A_583, %dma_start3A_589] : memref<3x4x128xi32, #tpu.memory_space<vmem>> -> memref<1x1x128xi32, #tpu.memory_space<vmem>>
      %dma_start3A_591 = tpu.memref_squeeze %dma_start3A_590 : memref<1x1x128xi32, #tpu.memory_space<vmem>> -> memref<128xi32, #tpu.memory_space<vmem>>
      %dma_start3A_592 = arith.constant 0 : i32
      %dma_start3A_593 = arith.constant 0 : i32
      %dma_start3A_594 = tpu.memref_slice %arg3[%dma_start3A_592, %dma_start3A_593] : memref<1000000x64xf32, #tpu.memory_space<hbm>> -> memref<1000000x64xf32, #tpu.memory_space<hbm>>
      tpu.enqueue_indirect_dma source(%dma_start3A_594 : memref<1000000x64xf32, #tpu.memory_space<hbm>>) target(%dma_start3A_588 : memref<128x64xf32, #tpu.memory_space<vmem>>) offsets(%dma_start3A_591 : memref<128xi32, #tpu.memory_space<vmem>>) semaphore(%arg12 : memref<!tpu.dma_semaphore, #tpu.memory_space<semaphore_mem>>)
      %dma_start3A_595 = arith.constant 2 : i32
      %dma_start3A_596 = arith.constant 2 : i32
      %dma_start3A_597 = arith.constant 2 : i32
      %dma_start3A_598 = arith.constant 256 : i32
      %dma_start3A_599 = arith.constant 0 : i32
      %dma_start3A_600 = tpu.memref_slice %arg6[%dma_start3A_597, %dma_start3A_598, %dma_start3A_599] : memref<3x512x64xf32, #tpu.memory_space<vmem>> -> memref<1x128x64xf32, #tpu.memory_space<vmem>>
      %dma_start3A_601 = tpu.memref_squeeze %dma_start3A_600 : memref<1x128x64xf32, #tpu.memory_space<vmem>> -> memref<128x64xf32, #tpu.memory_space<vmem>>
      %dma_start3A_602 = arith.constant 0 : i32
      %dma_start3A_603 = tpu.memref_slice %arg5[%dma_start3A_595, %dma_start3A_596, %dma_start3A_602] : memref<3x4x128xi32, #tpu.memory_space<vmem>> -> memref<1x1x128xi32, #tpu.memory_space<vmem>>
      %dma_start3A_604 = tpu.memref_squeeze %dma_start3A_603 : memref<1x1x128xi32, #tpu.memory_space<vmem>> -> memref<128xi32, #tpu.memory_space<vmem>>
      %dma_start3A_605 = arith.constant 0 : i32
      %dma_start3A_606 = arith.constant 0 : i32
      %dma_start3A_607 = tpu.memref_slice %arg3[%dma_start3A_605, %dma_start3A_606] : memref<1000000x64xf32, #tpu.memory_space<hbm>> -> memref<1000000x64xf32, #tpu.memory_space<hbm>>
      tpu.enqueue_indirect_dma source(%dma_start3A_607 : memref<1000000x64xf32, #tpu.memory_space<hbm>>) target(%dma_start3A_601 : memref<128x64xf32, #tpu.memory_space<vmem>>) offsets(%dma_start3A_604 : memref<128xi32, #tpu.memory_space<vmem>>) semaphore(%arg12 : memref<!tpu.dma_semaphore, #tpu.memory_space<semaphore_mem>>)
      %dma_start3A_608 = arith.constant 2 : i32
      %dma_start3A_609 = arith.constant 3 : i32
      %dma_start3A_610 = arith.constant 2 : i32
      %dma_start3A_611 = arith.constant 384 : i32
      %dma_start3A_612 = arith.constant 0 : i32
      %dma_start3A_613 = tpu.memref_slice %arg6[%dma_start3A_610, %dma_start3A_611, %dma_start3A_612] : memref<3x512x64xf32, #tpu.memory_space<vmem>> -> memref<1x128x64xf32, #tpu.memory_space<vmem>>
      %dma_start3A_614 = tpu.memref_squeeze %dma_start3A_613 : memref<1x128x64xf32, #tpu.memory_space<vmem>> -> memref<128x64xf32, #tpu.memory_space<vmem>>
      %dma_start3A_615 = arith.constant 0 : i32
      %dma_start3A_616 = tpu.memref_slice %arg5[%dma_start3A_608, %dma_start3A_609, %dma_start3A_615] : memref<3x4x128xi32, #tpu.memory_space<vmem>> -> memref<1x1x128xi32, #tpu.memory_space<vmem>>
      %dma_start3A_617 = tpu.memref_squeeze %dma_start3A_616 : memref<1x1x128xi32, #tpu.memory_space<vmem>> -> memref<128xi32, #tpu.memory_space<vmem>>
      %dma_start3A_618 = arith.constant 0 : i32
      %dma_start3A_619 = arith.constant 0 : i32
      %dma_start3A_620 = tpu.memref_slice %arg3[%dma_start3A_618, %dma_start3A_619] : memref<1000000x64xf32, #tpu.memory_space<hbm>> -> memref<1000000x64xf32, #tpu.memory_space<hbm>>
      tpu.enqueue_indirect_dma source(%dma_start3A_620 : memref<1000000x64xf32, #tpu.memory_space<hbm>>) target(%dma_start3A_614 : memref<128x64xf32, #tpu.memory_space<vmem>>) offsets(%dma_start3A_617 : memref<128xi32, #tpu.memory_space<vmem>>) semaphore(%arg12 : memref<!tpu.dma_semaphore, #tpu.memory_space<semaphore_mem>>)
      %add3A_621 = arith.constant 1 : i32
      %add3A_622 = arith.addi %add3A_547, %add3A_621 : i32
      %mul3A_623 = arith.constant 4 : i32
      %mul3A_624 = arith.muli %add3A_622, %mul3A_623 : i32
      %add3A_625 = arith.addi %mul3A_2, %mul3A_624 : i32
      %dma_start3A_626 = arith.constant 0 : i32
      %dma_start3A_627 = arith.constant 0 : i32
      %dma_start3A_628 = arith.constant 0 : i32
      %dma_start3A_629 = tpu.memref_slice %arg5[%dma_start3A_626, %dma_start3A_627, %dma_start3A_628] : memref<3x4x128xi32, #tpu.memory_space<vmem>> -> memref<1x4x128xi32, #tpu.memory_space<vmem>>
      %dma_start3A_630 = tpu.memref_squeeze %dma_start3A_629 : memref<1x4x128xi32, #tpu.memory_space<vmem>> -> memref<4x128xi32, #tpu.memory_space<vmem>>
      %dma_start3A_631 = arith.constant 0 : i32
      %dma_start3A_632 = tpu.memref_slice %arg2[%add3A_625, %dma_start3A_631] : memref<6400x128xi32, #tpu.memory_space<hbm>> -> memref<4x128xi32, #tpu.memory_space<hbm>>
      %dma_start3A_633 = arith.constant 0 : i32
      %dma_start3A_634 = arith.constant 0 : i32
      %dma_start3A_635 = tpu.memref_slice %arg5[%dma_start3A_626, %dma_start3A_633, %dma_start3A_634] : memref<3x4x128xi32, #tpu.memory_space<vmem>> -> memref<1x4x128xi32, #tpu.memory_space<vmem>>
      %dma_start3A_636 = tpu.memref_squeeze %dma_start3A_635 : memref<1x4x128xi32, #tpu.memory_space<vmem>> -> memref<4x128xi32, #tpu.memory_space<vmem>>
      %dma_start3A_637 = arith.constant 0 : i32
      %dma_start3A_638 = tpu.memref_slice %arg2[%add3A_625, %dma_start3A_637] : memref<6400x128xi32, #tpu.memory_space<hbm>> -> memref<4x128xi32, #tpu.memory_space<hbm>>
      tpu.enqueue_dma source(%dma_start3A_638 : memref<4x128xi32, #tpu.memory_space<hbm>>) target(%dma_start3A_636 : memref<4x128xi32, #tpu.memory_space<vmem>>) target_semaphore(%arg7 : memref<!tpu.dma_semaphore, #tpu.memory_space<semaphore_mem>>)
      %sub3A_639 = arith.constant 1 : i32
      %sub3A_640 = arith.subi %add3A_547, %sub3A_639 : i32
      %dma_wait3A_641 = arith.constant 1 : i32
      %dma_wait3A_642 = arith.constant 0 : i32
      %dma_wait3A_643 = arith.constant 1 : i32
      %dma_wait3A_644 = arith.constant 0 : i32
      %dma_wait3A_645 = arith.constant 0 : i32
      %dma_wait3A_646 = tpu.memref_slice %arg6[%dma_wait3A_643, %dma_wait3A_644, %dma_wait3A_645] : memref<3x512x64xf32, #tpu.memory_space<vmem>> -> memref<1x128x64xf32, #tpu.memory_space<vmem>>
      %dma_wait3A_647 = tpu.memref_squeeze %dma_wait3A_646 : memref<1x128x64xf32, #tpu.memory_space<vmem>> -> memref<128x64xf32, #tpu.memory_space<vmem>>
      %dma_wait3A_648 = arith.constant 0 : i32
      %dma_wait3A_649 = tpu.memref_slice %arg5[%dma_wait3A_641, %dma_wait3A_642, %dma_wait3A_648] : memref<3x4x128xi32, #tpu.memory_space<vmem>> -> memref<1x1x128xi32, #tpu.memory_space<vmem>>
      %dma_wait3A_650 = tpu.memref_squeeze %dma_wait3A_649 : memref<1x1x128xi32, #tpu.memory_space<vmem>> -> memref<128xi32, #tpu.memory_space<vmem>>
      %dma_wait3A_651 = arith.constant 0 : i32
      %dma_wait3A_652 = arith.constant 0 : i32
      %dma_wait3A_653 = tpu.memref_slice %arg3[%dma_wait3A_651, %dma_wait3A_652] : memref<1000000x64xf32, #tpu.memory_space<hbm>> -> memref<1000000x64xf32, #tpu.memory_space<hbm>>
      tpu.wait_indirect_dma semaphore(%arg11 : memref<!tpu.dma_semaphore, #tpu.memory_space<semaphore_mem>>) src(%dma_wait3A_653 : memref<1000000x64xf32, #tpu.memory_space<hbm>>) dst(%dma_wait3A_647 : memref<128x64xf32, #tpu.memory_space<vmem>>)
      %dma_wait3A_654 = arith.constant 1 : i32
      %dma_wait3A_655 = arith.constant 1 : i32
      %dma_wait3A_656 = arith.constant 1 : i32
      %dma_wait3A_657 = arith.constant 128 : i32
      %dma_wait3A_658 = arith.constant 0 : i32
      %dma_wait3A_659 = tpu.memref_slice %arg6[%dma_wait3A_656, %dma_wait3A_657, %dma_wait3A_658] : memref<3x512x64xf32, #tpu.memory_space<vmem>> -> memref<1x128x64xf32, #tpu.memory_space<vmem>>
      %dma_wait3A_660 = tpu.memref_squeeze %dma_wait3A_659 : memref<1x128x64xf32, #tpu.memory_space<vmem>> -> memref<128x64xf32, #tpu.memory_space<vmem>>
      %dma_wait3A_661 = arith.constant 0 : i32
      %dma_wait3A_662 = tpu.memref_slice %arg5[%dma_wait3A_654, %dma_wait3A_655, %dma_wait3A_661] : memref<3x4x128xi32, #tpu.memory_space<vmem>> -> memref<1x1x128xi32, #tpu.memory_space<vmem>>
      %dma_wait3A_663 = tpu.memref_squeeze %dma_wait3A_662 : memref<1x1x128xi32, #tpu.memory_space<vmem>> -> memref<128xi32, #tpu.memory_space<vmem>>
      %dma_wait3A_664 = arith.constant 0 : i32
      %dma_wait3A_665 = arith.constant 0 : i32
      %dma_wait3A_666 = tpu.memref_slice %arg3[%dma_wait3A_664, %dma_wait3A_665] : memref<1000000x64xf32, #tpu.memory_space<hbm>> -> memref<1000000x64xf32, #tpu.memory_space<hbm>>
      tpu.wait_indirect_dma semaphore(%arg11 : memref<!tpu.dma_semaphore, #tpu.memory_space<semaphore_mem>>) src(%dma_wait3A_666 : memref<1000000x64xf32, #tpu.memory_space<hbm>>) dst(%dma_wait3A_660 : memref<128x64xf32, #tpu.memory_space<vmem>>)
      %dma_wait3A_667 = arith.constant 1 : i32
      %dma_wait3A_668 = arith.constant 2 : i32
      %dma_wait3A_669 = arith.constant 1 : i32
      %dma_wait3A_670 = arith.constant 256 : i32
      %dma_wait3A_671 = arith.constant 0 : i32
      %dma_wait3A_672 = tpu.memref_slice %arg6[%dma_wait3A_669, %dma_wait3A_670, %dma_wait3A_671] : memref<3x512x64xf32, #tpu.memory_space<vmem>> -> memref<1x128x64xf32, #tpu.memory_space<vmem>>
      %dma_wait3A_673 = tpu.memref_squeeze %dma_wait3A_672 : memref<1x128x64xf32, #tpu.memory_space<vmem>> -> memref<128x64xf32, #tpu.memory_space<vmem>>
      %dma_wait3A_674 = arith.constant 0 : i32
      %dma_wait3A_675 = tpu.memref_slice %arg5[%dma_wait3A_667, %dma_wait3A_668, %dma_wait3A_674] : memref<3x4x128xi32, #tpu.memory_space<vmem>> -> memref<1x1x128xi32, #tpu.memory_space<vmem>>
      %dma_wait3A_676 = tpu.memref_squeeze %dma_wait3A_675 : memref<1x1x128xi32, #tpu.memory_space<vmem>> -> memref<128xi32, #tpu.memory_space<vmem>>
      %dma_wait3A_677 = arith.constant 0 : i32
      %dma_wait3A_678 = arith.constant 0 : i32
      %dma_wait3A_679 = tpu.memref_slice %arg3[%dma_wait3A_677, %dma_wait3A_678] : memref<1000000x64xf32, #tpu.memory_space<hbm>> -> memref<1000000x64xf32, #tpu.memory_space<hbm>>
      tpu.wait_indirect_dma semaphore(%arg11 : memref<!tpu.dma_semaphore, #tpu.memory_space<semaphore_mem>>) src(%dma_wait3A_679 : memref<1000000x64xf32, #tpu.memory_space<hbm>>) dst(%dma_wait3A_673 : memref<128x64xf32, #tpu.memory_space<vmem>>)
      %dma_wait3A_680 = arith.constant 1 : i32
      %dma_wait3A_681 = arith.constant 3 : i32
      %dma_wait3A_682 = arith.constant 1 : i32
      %dma_wait3A_683 = arith.constant 384 : i32
      %dma_wait3A_684 = arith.constant 0 : i32
      %dma_wait3A_685 = tpu.memref_slice %arg6[%dma_wait3A_682, %dma_wait3A_683, %dma_wait3A_684] : memref<3x512x64xf32, #tpu.memory_space<vmem>> -> memref<1x128x64xf32, #tpu.memory_space<vmem>>
      %dma_wait3A_686 = tpu.memref_squeeze %dma_wait3A_685 : memref<1x128x64xf32, #tpu.memory_space<vmem>> -> memref<128x64xf32, #tpu.memory_space<vmem>>
      %dma_wait3A_687 = arith.constant 0 : i32
      %dma_wait3A_688 = tpu.memref_slice %arg5[%dma_wait3A_680, %dma_wait3A_681, %dma_wait3A_687] : memref<3x4x128xi32, #tpu.memory_space<vmem>> -> memref<1x1x128xi32, #tpu.memory_space<vmem>>
      %dma_wait3A_689 = tpu.memref_squeeze %dma_wait3A_688 : memref<1x1x128xi32, #tpu.memory_space<vmem>> -> memref<128xi32, #tpu.memory_space<vmem>>
      %dma_wait3A_690 = arith.constant 0 : i32
      %dma_wait3A_691 = arith.constant 0 : i32
      %dma_wait3A_692 = tpu.memref_slice %arg3[%dma_wait3A_690, %dma_wait3A_691] : memref<1000000x64xf32, #tpu.memory_space<hbm>> -> memref<1000000x64xf32, #tpu.memory_space<hbm>>
      tpu.wait_indirect_dma semaphore(%arg11 : memref<!tpu.dma_semaphore, #tpu.memory_space<semaphore_mem>>) src(%dma_wait3A_692 : memref<1000000x64xf32, #tpu.memory_space<hbm>>) dst(%dma_wait3A_686 : memref<128x64xf32, #tpu.memory_space<vmem>>)
      %mul3A_693 = arith.constant 4 : i32
      %mul3A_694 = arith.muli %sub3A_640, %mul3A_693 : i32
      %add3A_695 = arith.addi %mul3A_2, %mul3A_694 : i32
      %mul3A_696 = arith.constant 128 : i32
      %mul3A_697 = arith.muli %add3A_695, %mul3A_696 : i32
      %dma_start3A_698 = arith.constant 1 : i32
      %dma_start3A_699 = arith.constant 0 : i32
      %dma_start3A_700 = arith.constant 0 : i32
      %dma_start3A_701 = tpu.memref_slice %arg6[%dma_start3A_698, %dma_start3A_699, %dma_start3A_700] : memref<3x512x64xf32, #tpu.memory_space<vmem>> -> memref<1x512x64xf32, #tpu.memory_space<vmem>>
      %dma_start3A_702 = tpu.memref_squeeze %dma_start3A_701 : memref<1x512x64xf32, #tpu.memory_space<vmem>> -> memref<512x64xf32, #tpu.memory_space<vmem>>
      %dma_start3A_703 = arith.constant 0 : i32
      %dma_start3A_704 = tpu.memref_slice %arg4[%mul3A_697, %dma_start3A_703] : memref<819200x128xf32, #tpu.memory_space<hbm>> -> memref<512x64xf32, #tpu.memory_space<hbm>>
      %dma_start3A_705 = arith.constant 0 : i32
      %dma_start3A_706 = tpu.memref_slice %arg4[%mul3A_697, %dma_start3A_705] : memref<819200x128xf32, #tpu.memory_space<hbm>> -> memref<512x64xf32, #tpu.memory_space<hbm>>
      %dma_start3A_707 = arith.constant 0 : i32
      %dma_start3A_708 = arith.constant 0 : i32
      %dma_start3A_709 = tpu.memref_slice %arg6[%dma_start3A_698, %dma_start3A_707, %dma_start3A_708] : memref<3x512x64xf32, #tpu.memory_space<vmem>> -> memref<1x512x64xf32, #tpu.memory_space<vmem>>
      %dma_start3A_710 = tpu.memref_squeeze %dma_start3A_709 : memref<1x512x64xf32, #tpu.memory_space<vmem>> -> memref<512x64xf32, #tpu.memory_space<vmem>>
      tpu.enqueue_dma source(%dma_start3A_710 : memref<512x64xf32, #tpu.memory_space<vmem>>) target(%dma_start3A_706 : memref<512x64xf32, #tpu.memory_space<hbm>>) target_semaphore(%arg14 : memref<!tpu.dma_semaphore, #tpu.memory_space<semaphore_mem>>)
      %mul3A_711 = arith.constant 3 : i32
      %mul3A_712 = arith.muli %scan3A_376, %mul3A_711 : i32
      %add3A_713 = arith.constant 1 : i32
      %add3A_714 = arith.addi %add3A_713, %mul3A_712 : i32
      %add3A_715 = arith.constant 2 : i32
      %add3A_716 = arith.addi %add3A_714, %add3A_715 : i32
      %mul3A_717 = arith.constant 4 : i32
      %mul3A_718 = arith.muli %add3A_716, %mul3A_717 : i32
      %add3A_719 = arith.addi %mul3A_2, %mul3A_718 : i32
      %dma_wait3A_720 = arith.constant 0 : i32
      %dma_wait3A_721 = arith.constant 0 : i32
      %dma_wait3A_722 = arith.constant 0 : i32
      %dma_wait3A_723 = tpu.memref_slice %arg5[%dma_wait3A_720, %dma_wait3A_721, %dma_wait3A_722] : memref<3x4x128xi32, #tpu.memory_space<vmem>> -> memref<1x4x128xi32, #tpu.memory_space<vmem>>
      %dma_wait3A_724 = tpu.memref_squeeze %dma_wait3A_723 : memref<1x4x128xi32, #tpu.memory_space<vmem>> -> memref<4x128xi32, #tpu.memory_space<vmem>>
      %dma_wait3A_725 = arith.constant 0 : i32
      %dma_wait3A_726 = tpu.memref_slice %arg2[%add3A_719, %dma_wait3A_725] : memref<6400x128xi32, #tpu.memory_space<hbm>> -> memref<4x128xi32, #tpu.memory_space<hbm>>
      %dma_wait3A_727 = arith.constant 0 : i32
      %dma_wait3A_728 = arith.constant 0 : i32
      %dma_wait3A_729 = tpu.memref_slice %arg5[%dma_wait3A_720, %dma_wait3A_727, %dma_wait3A_728] : memref<3x4x128xi32, #tpu.memory_space<vmem>> -> memref<1x4x128xi32, #tpu.memory_space<vmem>>
      %dma_wait3A_730 = tpu.memref_squeeze %dma_wait3A_729 : memref<1x4x128xi32, #tpu.memory_space<vmem>> -> memref<4x128xi32, #tpu.memory_space<vmem>>
      %dma_wait3A_731 = arith.constant 0 : i32
      %dma_wait3A_732 = tpu.memref_slice %arg2[%add3A_719, %dma_wait3A_731] : memref<6400x128xi32, #tpu.memory_space<hbm>> -> memref<4x128xi32, #tpu.memory_space<hbm>>
      tpu.wait_dma2 semaphore(%arg7 : memref<!tpu.dma_semaphore, #tpu.memory_space<semaphore_mem>>) src(%dma_wait3A_732 : memref<4x128xi32, #tpu.memory_space<hbm>>) dst(%dma_wait3A_730 : memref<4x128xi32, #tpu.memory_space<vmem>>)
      %ge3A_733 = arith.constant 3 : i32
      %ge3A_734 = arith.cmpi sge, %add3A_716, %ge3A_733 : i32
      %convert_element_type3A_735 = arith.extui %ge3A_734 : i1 to i32
      %cond3A_736 = arith.constant 0 : i32
      %cond3A_737 = arith.cmpi ne, %convert_element_type3A_735, %cond3A_736 : i32
      scf.if %cond3A_737 {
        %sub3A_880 = arith.constant 3 : i32
        %sub3A_881 = arith.subi %add3A_716, %sub3A_880 : i32
        %mul3A_882 = arith.constant 4 : i32
        %mul3A_883 = arith.muli %sub3A_881, %mul3A_882 : i32
        %add3A_884 = arith.addi %mul3A_2, %mul3A_883 : i32
        %mul3A_885 = arith.constant 128 : i32
        %mul3A_886 = arith.muli %add3A_884, %mul3A_885 : i32
        %dma_wait3A_887 = arith.constant 0 : i32
        %dma_wait3A_888 = arith.constant 0 : i32
        %dma_wait3A_889 = arith.constant 0 : i32
        %dma_wait3A_890 = tpu.memref_slice %arg6[%dma_wait3A_887, %dma_wait3A_888, %dma_wait3A_889] : memref<3x512x64xf32, #tpu.memory_space<vmem>> -> memref<1x512x64xf32, #tpu.memory_space<vmem>>
        %dma_wait3A_891 = tpu.memref_squeeze %dma_wait3A_890 : memref<1x512x64xf32, #tpu.memory_space<vmem>> -> memref<512x64xf32, #tpu.memory_space<vmem>>
        %dma_wait3A_892 = arith.constant 0 : i32
        %dma_wait3A_893 = tpu.memref_slice %arg4[%mul3A_886, %dma_wait3A_892] : memref<819200x128xf32, #tpu.memory_space<hbm>> -> memref<512x64xf32, #tpu.memory_space<hbm>>
        %dma_wait3A_894 = arith.constant 0 : i32
        %dma_wait3A_895 = tpu.memref_slice %arg4[%mul3A_886, %dma_wait3A_894] : memref<819200x128xf32, #tpu.memory_space<hbm>> -> memref<512x64xf32, #tpu.memory_space<hbm>>
        %dma_wait3A_896 = arith.constant 0 : i32
        %dma_wait3A_897 = arith.constant 0 : i32
        %dma_wait3A_898 = tpu.memref_slice %arg6[%dma_wait3A_887, %dma_wait3A_896, %dma_wait3A_897] : memref<3x512x64xf32, #tpu.memory_space<vmem>> -> memref<1x512x64xf32, #tpu.memory_space<vmem>>
        %dma_wait3A_899 = tpu.memref_squeeze %dma_wait3A_898 : memref<1x512x64xf32, #tpu.memory_space<vmem>> -> memref<512x64xf32, #tpu.memory_space<vmem>>
        tpu.wait_dma2 semaphore(%arg13 : memref<!tpu.dma_semaphore, #tpu.memory_space<semaphore_mem>>) src(%dma_wait3A_899 : memref<512x64xf32, #tpu.memory_space<vmem>>) dst(%dma_wait3A_895 : memref<512x64xf32, #tpu.memory_space<hbm>>)
      } else {
      }
      %dma_start3A_738 = arith.constant 0 : i32
      %dma_start3A_739 = arith.constant 0 : i32
      %dma_start3A_740 = arith.constant 0 : i32
      %dma_start3A_741 = arith.constant 0 : i32
      %dma_start3A_742 = arith.constant 0 : i32
      %dma_start3A_743 = tpu.memref_slice %arg6[%dma_start3A_740, %dma_start3A_741, %dma_start3A_742] : memref<3x512x64xf32, #tpu.memory_space<vmem>> -> memref<1x128x64xf32, #tpu.memory_space<vmem>>
      %dma_start3A_744 = tpu.memref_squeeze %dma_start3A_743 : memref<1x128x64xf32, #tpu.memory_space<vmem>> -> memref<128x64xf32, #tpu.memory_space<vmem>>
      %dma_start3A_745 = arith.constant 0 : i32
      %dma_start3A_746 = tpu.memref_slice %arg5[%dma_start3A_738, %dma_start3A_739, %dma_start3A_745] : memref<3x4x128xi32, #tpu.memory_space<vmem>> -> memref<1x1x128xi32, #tpu.memory_space<vmem>>
      %dma_start3A_747 = tpu.memref_squeeze %dma_start3A_746 : memref<1x1x128xi32, #tpu.memory_space<vmem>> -> memref<128xi32, #tpu.memory_space<vmem>>
      %dma_start3A_748 = arith.constant 0 : i32
      %dma_start3A_749 = arith.constant 0 : i32
      %dma_start3A_750 = tpu.memref_slice %arg3[%dma_start3A_748, %dma_start3A_749] : memref<1000000x64xf32, #tpu.memory_space<hbm>> -> memref<1000000x64xf32, #tpu.memory_space<hbm>>
      tpu.enqueue_indirect_dma source(%dma_start3A_750 : memref<1000000x64xf32, #tpu.memory_space<hbm>>) target(%dma_start3A_744 : memref<128x64xf32, #tpu.memory_space<vmem>>) offsets(%dma_start3A_747 : memref<128xi32, #tpu.memory_space<vmem>>) semaphore(%arg10 : memref<!tpu.dma_semaphore, #tpu.memory_space<semaphore_mem>>)
      %dma_start3A_751 = arith.constant 0 : i32
      %dma_start3A_752 = arith.constant 1 : i32
      %dma_start3A_753 = arith.constant 0 : i32
      %dma_start3A_754 = arith.constant 128 : i32
      %dma_start3A_755 = arith.constant 0 : i32
      %dma_start3A_756 = tpu.memref_slice %arg6[%dma_start3A_753, %dma_start3A_754, %dma_start3A_755] : memref<3x512x64xf32, #tpu.memory_space<vmem>> -> memref<1x128x64xf32, #tpu.memory_space<vmem>>
      %dma_start3A_757 = tpu.memref_squeeze %dma_start3A_756 : memref<1x128x64xf32, #tpu.memory_space<vmem>> -> memref<128x64xf32, #tpu.memory_space<vmem>>
      %dma_start3A_758 = arith.constant 0 : i32
      %dma_start3A_759 = tpu.memref_slice %arg5[%dma_start3A_751, %dma_start3A_752, %dma_start3A_758] : memref<3x4x128xi32, #tpu.memory_space<vmem>> -> memref<1x1x128xi32, #tpu.memory_space<vmem>>
      %dma_start3A_760 = tpu.memref_squeeze %dma_start3A_759 : memref<1x1x128xi32, #tpu.memory_space<vmem>> -> memref<128xi32, #tpu.memory_space<vmem>>
      %dma_start3A_761 = arith.constant 0 : i32
      %dma_start3A_762 = arith.constant 0 : i32
      %dma_start3A_763 = tpu.memref_slice %arg3[%dma_start3A_761, %dma_start3A_762] : memref<1000000x64xf32, #tpu.memory_space<hbm>> -> memref<1000000x64xf32, #tpu.memory_space<hbm>>
      tpu.enqueue_indirect_dma source(%dma_start3A_763 : memref<1000000x64xf32, #tpu.memory_space<hbm>>) target(%dma_start3A_757 : memref<128x64xf32, #tpu.memory_space<vmem>>) offsets(%dma_start3A_760 : memref<128xi32, #tpu.memory_space<vmem>>) semaphore(%arg10 : memref<!tpu.dma_semaphore, #tpu.memory_space<semaphore_mem>>)
      %dma_start3A_764 = arith.constant 0 : i32
      %dma_start3A_765 = arith.constant 2 : i32
      %dma_start3A_766 = arith.constant 0 : i32
      %dma_start3A_767 = arith.constant 256 : i32
      %dma_start3A_768 = arith.constant 0 : i32
      %dma_start3A_769 = tpu.memref_slice %arg6[%dma_start3A_766, %dma_start3A_767, %dma_start3A_768] : memref<3x512x64xf32, #tpu.memory_space<vmem>> -> memref<1x128x64xf32, #tpu.memory_space<vmem>>
      %dma_start3A_770 = tpu.memref_squeeze %dma_start3A_769 : memref<1x128x64xf32, #tpu.memory_space<vmem>> -> memref<128x64xf32, #tpu.memory_space<vmem>>
      %dma_start3A_771 = arith.constant 0 : i32
      %dma_start3A_772 = tpu.memref_slice %arg5[%dma_start3A_764, %dma_start3A_765, %dma_start3A_771] : memref<3x4x128xi32, #tpu.memory_space<vmem>> -> memref<1x1x128xi32, #tpu.memory_space<vmem>>
      %dma_start3A_773 = tpu.memref_squeeze %dma_start3A_772 : memref<1x1x128xi32, #tpu.memory_space<vmem>> -> memref<128xi32, #tpu.memory_space<vmem>>
      %dma_start3A_774 = arith.constant 0 : i32
      %dma_start3A_775 = arith.constant 0 : i32
      %dma_start3A_776 = tpu.memref_slice %arg3[%dma_start3A_774, %dma_start3A_775] : memref<1000000x64xf32, #tpu.memory_space<hbm>> -> memref<1000000x64xf32, #tpu.memory_space<hbm>>
      tpu.enqueue_indirect_dma source(%dma_start3A_776 : memref<1000000x64xf32, #tpu.memory_space<hbm>>) target(%dma_start3A_770 : memref<128x64xf32, #tpu.memory_space<vmem>>) offsets(%dma_start3A_773 : memref<128xi32, #tpu.memory_space<vmem>>) semaphore(%arg10 : memref<!tpu.dma_semaphore, #tpu.memory_space<semaphore_mem>>)
      %dma_start3A_777 = arith.constant 0 : i32
      %dma_start3A_778 = arith.constant 3 : i32
      %dma_start3A_779 = arith.constant 0 : i32
      %dma_start3A_780 = arith.constant 384 : i32
      %dma_start3A_781 = arith.constant 0 : i32
      %dma_start3A_782 = tpu.memref_slice %arg6[%dma_start3A_779, %dma_start3A_780, %dma_start3A_781] : memref<3x512x64xf32, #tpu.memory_space<vmem>> -> memref<1x128x64xf32, #tpu.memory_space<vmem>>
      %dma_start3A_783 = tpu.memref_squeeze %dma_start3A_782 : memref<1x128x64xf32, #tpu.memory_space<vmem>> -> memref<128x64xf32, #tpu.memory_space<vmem>>
      %dma_start3A_784 = arith.constant 0 : i32
      %dma_start3A_785 = tpu.memref_slice %arg5[%dma_start3A_777, %dma_start3A_778, %dma_start3A_784] : memref<3x4x128xi32, #tpu.memory_space<vmem>> -> memref<1x1x128xi32, #tpu.memory_space<vmem>>
      %dma_start3A_786 = tpu.memref_squeeze %dma_start3A_785 : memref<1x1x128xi32, #tpu.memory_space<vmem>> -> memref<128xi32, #tpu.memory_space<vmem>>
      %dma_start3A_787 = arith.constant 0 : i32
      %dma_start3A_788 = arith.constant 0 : i32
      %dma_start3A_789 = tpu.memref_slice %arg3[%dma_start3A_787, %dma_start3A_788] : memref<1000000x64xf32, #tpu.memory_space<hbm>> -> memref<1000000x64xf32, #tpu.memory_space<hbm>>
      tpu.enqueue_indirect_dma source(%dma_start3A_789 : memref<1000000x64xf32, #tpu.memory_space<hbm>>) target(%dma_start3A_783 : memref<128x64xf32, #tpu.memory_space<vmem>>) offsets(%dma_start3A_786 : memref<128xi32, #tpu.memory_space<vmem>>) semaphore(%arg10 : memref<!tpu.dma_semaphore, #tpu.memory_space<semaphore_mem>>)
      %add3A_790 = arith.constant 1 : i32
      %add3A_791 = arith.addi %add3A_716, %add3A_790 : i32
      %mul3A_792 = arith.constant 4 : i32
      %mul3A_793 = arith.muli %add3A_791, %mul3A_792 : i32
      %add3A_794 = arith.addi %mul3A_2, %mul3A_793 : i32
      %dma_start3A_795 = arith.constant 1 : i32
      %dma_start3A_796 = arith.constant 0 : i32
      %dma_start3A_797 = arith.constant 0 : i32
      %dma_start3A_798 = tpu.memref_slice %arg5[%dma_start3A_795, %dma_start3A_796, %dma_start3A_797] : memref<3x4x128xi32, #tpu.memory_space<vmem>> -> memref<1x4x128xi32, #tpu.memory_space<vmem>>
      %dma_start3A_799 = tpu.memref_squeeze %dma_start3A_798 : memref<1x4x128xi32, #tpu.memory_space<vmem>> -> memref<4x128xi32, #tpu.memory_space<vmem>>
      %dma_start3A_800 = arith.constant 0 : i32
      %dma_start3A_801 = tpu.memref_slice %arg2[%add3A_794, %dma_start3A_800] : memref<6400x128xi32, #tpu.memory_space<hbm>> -> memref<4x128xi32, #tpu.memory_space<hbm>>
      %dma_start3A_802 = arith.constant 0 : i32
      %dma_start3A_803 = arith.constant 0 : i32
      %dma_start3A_804 = tpu.memref_slice %arg5[%dma_start3A_795, %dma_start3A_802, %dma_start3A_803] : memref<3x4x128xi32, #tpu.memory_space<vmem>> -> memref<1x4x128xi32, #tpu.memory_space<vmem>>
      %dma_start3A_805 = tpu.memref_squeeze %dma_start3A_804 : memref<1x4x128xi32, #tpu.memory_space<vmem>> -> memref<4x128xi32, #tpu.memory_space<vmem>>
      %dma_start3A_806 = arith.constant 0 : i32
      %dma_start3A_807 = tpu.memref_slice %arg2[%add3A_794, %dma_start3A_806] : memref<6400x128xi32, #tpu.memory_space<hbm>> -> memref<4x128xi32, #tpu.memory_space<hbm>>
      tpu.enqueue_dma source(%dma_start3A_807 : memref<4x128xi32, #tpu.memory_space<hbm>>) target(%dma_start3A_805 : memref<4x128xi32, #tpu.memory_space<vmem>>) target_semaphore(%arg8 : memref<!tpu.dma_semaphore, #tpu.memory_space<semaphore_mem>>)
      %sub3A_808 = arith.constant 1 : i32
      %sub3A_809 = arith.subi %add3A_716, %sub3A_808 : i32
      %dma_wait3A_810 = arith.constant 2 : i32
      %dma_wait3A_811 = arith.constant 0 : i32
      %dma_wait3A_812 = arith.constant 2 : i32
      %dma_wait3A_813 = arith.constant 0 : i32
      %dma_wait3A_814 = arith.constant 0 : i32
      %dma_wait3A_815 = tpu.memref_slice %arg6[%dma_wait3A_812, %dma_wait3A_813, %dma_wait3A_814] : memref<3x512x64xf32, #tpu.memory_space<vmem>> -> memref<1x128x64xf32, #tpu.memory_space<vmem>>
      %dma_wait3A_816 = tpu.memref_squeeze %dma_wait3A_815 : memref<1x128x64xf32, #tpu.memory_space<vmem>> -> memref<128x64xf32, #tpu.memory_space<vmem>>
      %dma_wait3A_817 = arith.constant 0 : i32
      %dma_wait3A_818 = tpu.memref_slice %arg5[%dma_wait3A_810, %dma_wait3A_811, %dma_wait3A_817] : memref<3x4x128xi32, #tpu.memory_space<vmem>> -> memref<1x1x128xi32, #tpu.memory_space<vmem>>
      %dma_wait3A_819 = tpu.memref_squeeze %dma_wait3A_818 : memref<1x1x128xi32, #tpu.memory_space<vmem>> -> memref<128xi32, #tpu.memory_space<vmem>>
      %dma_wait3A_820 = arith.constant 0 : i32
      %dma_wait3A_821 = arith.constant 0 : i32
      %dma_wait3A_822 = tpu.memref_slice %arg3[%dma_wait3A_820, %dma_wait3A_821] : memref<1000000x64xf32, #tpu.memory_space<hbm>> -> memref<1000000x64xf32, #tpu.memory_space<hbm>>
      tpu.wait_indirect_dma semaphore(%arg12 : memref<!tpu.dma_semaphore, #tpu.memory_space<semaphore_mem>>) src(%dma_wait3A_822 : memref<1000000x64xf32, #tpu.memory_space<hbm>>) dst(%dma_wait3A_816 : memref<128x64xf32, #tpu.memory_space<vmem>>)
      %dma_wait3A_823 = arith.constant 2 : i32
      %dma_wait3A_824 = arith.constant 1 : i32
      %dma_wait3A_825 = arith.constant 2 : i32
      %dma_wait3A_826 = arith.constant 128 : i32
      %dma_wait3A_827 = arith.constant 0 : i32
      %dma_wait3A_828 = tpu.memref_slice %arg6[%dma_wait3A_825, %dma_wait3A_826, %dma_wait3A_827] : memref<3x512x64xf32, #tpu.memory_space<vmem>> -> memref<1x128x64xf32, #tpu.memory_space<vmem>>
      %dma_wait3A_829 = tpu.memref_squeeze %dma_wait3A_828 : memref<1x128x64xf32, #tpu.memory_space<vmem>> -> memref<128x64xf32, #tpu.memory_space<vmem>>
      %dma_wait3A_830 = arith.constant 0 : i32
      %dma_wait3A_831 = tpu.memref_slice %arg5[%dma_wait3A_823, %dma_wait3A_824, %dma_wait3A_830] : memref<3x4x128xi32, #tpu.memory_space<vmem>> -> memref<1x1x128xi32, #tpu.memory_space<vmem>>
      %dma_wait3A_832 = tpu.memref_squeeze %dma_wait3A_831 : memref<1x1x128xi32, #tpu.memory_space<vmem>> -> memref<128xi32, #tpu.memory_space<vmem>>
      %dma_wait3A_833 = arith.constant 0 : i32
      %dma_wait3A_834 = arith.constant 0 : i32
      %dma_wait3A_835 = tpu.memref_slice %arg3[%dma_wait3A_833, %dma_wait3A_834] : memref<1000000x64xf32, #tpu.memory_space<hbm>> -> memref<1000000x64xf32, #tpu.memory_space<hbm>>
      tpu.wait_indirect_dma semaphore(%arg12 : memref<!tpu.dma_semaphore, #tpu.memory_space<semaphore_mem>>) src(%dma_wait3A_835 : memref<1000000x64xf32, #tpu.memory_space<hbm>>) dst(%dma_wait3A_829 : memref<128x64xf32, #tpu.memory_space<vmem>>)
      %dma_wait3A_836 = arith.constant 2 : i32
      %dma_wait3A_837 = arith.constant 2 : i32
      %dma_wait3A_838 = arith.constant 2 : i32
      %dma_wait3A_839 = arith.constant 256 : i32
      %dma_wait3A_840 = arith.constant 0 : i32
      %dma_wait3A_841 = tpu.memref_slice %arg6[%dma_wait3A_838, %dma_wait3A_839, %dma_wait3A_840] : memref<3x512x64xf32, #tpu.memory_space<vmem>> -> memref<1x128x64xf32, #tpu.memory_space<vmem>>
      %dma_wait3A_842 = tpu.memref_squeeze %dma_wait3A_841 : memref<1x128x64xf32, #tpu.memory_space<vmem>> -> memref<128x64xf32, #tpu.memory_space<vmem>>
      %dma_wait3A_843 = arith.constant 0 : i32
      %dma_wait3A_844 = tpu.memref_slice %arg5[%dma_wait3A_836, %dma_wait3A_837, %dma_wait3A_843] : memref<3x4x128xi32, #tpu.memory_space<vmem>> -> memref<1x1x128xi32, #tpu.memory_space<vmem>>
      %dma_wait3A_845 = tpu.memref_squeeze %dma_wait3A_844 : memref<1x1x128xi32, #tpu.memory_space<vmem>> -> memref<128xi32, #tpu.memory_space<vmem>>
      %dma_wait3A_846 = arith.constant 0 : i32
      %dma_wait3A_847 = arith.constant 0 : i32
      %dma_wait3A_848 = tpu.memref_slice %arg3[%dma_wait3A_846, %dma_wait3A_847] : memref<1000000x64xf32, #tpu.memory_space<hbm>> -> memref<1000000x64xf32, #tpu.memory_space<hbm>>
      tpu.wait_indirect_dma semaphore(%arg12 : memref<!tpu.dma_semaphore, #tpu.memory_space<semaphore_mem>>) src(%dma_wait3A_848 : memref<1000000x64xf32, #tpu.memory_space<hbm>>) dst(%dma_wait3A_842 : memref<128x64xf32, #tpu.memory_space<vmem>>)
      %dma_wait3A_849 = arith.constant 2 : i32
      %dma_wait3A_850 = arith.constant 3 : i32
      %dma_wait3A_851 = arith.constant 2 : i32
      %dma_wait3A_852 = arith.constant 384 : i32
      %dma_wait3A_853 = arith.constant 0 : i32
      %dma_wait3A_854 = tpu.memref_slice %arg6[%dma_wait3A_851, %dma_wait3A_852, %dma_wait3A_853] : memref<3x512x64xf32, #tpu.memory_space<vmem>> -> memref<1x128x64xf32, #tpu.memory_space<vmem>>
      %dma_wait3A_855 = tpu.memref_squeeze %dma_wait3A_854 : memref<1x128x64xf32, #tpu.memory_space<vmem>> -> memref<128x64xf32, #tpu.memory_space<vmem>>
      %dma_wait3A_856 = arith.constant 0 : i32
      %dma_wait3A_857 = tpu.memref_slice %arg5[%dma_wait3A_849, %dma_wait3A_850, %dma_wait3A_856] : memref<3x4x128xi32, #tpu.memory_space<vmem>> -> memref<1x1x128xi32, #tpu.memory_space<vmem>>
      %dma_wait3A_858 = tpu.memref_squeeze %dma_wait3A_857 : memref<1x1x128xi32, #tpu.memory_space<vmem>> -> memref<128xi32, #tpu.memory_space<vmem>>
      %dma_wait3A_859 = arith.constant 0 : i32
      %dma_wait3A_860 = arith.constant 0 : i32
      %dma_wait3A_861 = tpu.memref_slice %arg3[%dma_wait3A_859, %dma_wait3A_860] : memref<1000000x64xf32, #tpu.memory_space<hbm>> -> memref<1000000x64xf32, #tpu.memory_space<hbm>>
      tpu.wait_indirect_dma semaphore(%arg12 : memref<!tpu.dma_semaphore, #tpu.memory_space<semaphore_mem>>) src(%dma_wait3A_861 : memref<1000000x64xf32, #tpu.memory_space<hbm>>) dst(%dma_wait3A_855 : memref<128x64xf32, #tpu.memory_space<vmem>>)
      %mul3A_862 = arith.constant 4 : i32
      %mul3A_863 = arith.muli %sub3A_809, %mul3A_862 : i32
      %add3A_864 = arith.addi %mul3A_2, %mul3A_863 : i32
      %mul3A_865 = arith.constant 128 : i32
      %mul3A_866 = arith.muli %add3A_864, %mul3A_865 : i32
      %dma_start3A_867 = arith.constant 2 : i32
      %dma_start3A_868 = arith.constant 0 : i32
      %dma_start3A_869 = arith.constant 0 : i32
      %dma_start3A_870 = tpu.memref_slice %arg6[%dma_start3A_867, %dma_start3A_868, %dma_start3A_869] : memref<3x512x64xf32, #tpu.memory_space<vmem>> -> memref<1x512x64xf32, #tpu.memory_space<vmem>>
      %dma_start3A_871 = tpu.memref_squeeze %dma_start3A_870 : memref<1x512x64xf32, #tpu.memory_space<vmem>> -> memref<512x64xf32, #tpu.memory_space<vmem>>
      %dma_start3A_872 = arith.constant 0 : i32
      %dma_start3A_873 = tpu.memref_slice %arg4[%mul3A_866, %dma_start3A_872] : memref<819200x128xf32, #tpu.memory_space<hbm>> -> memref<512x64xf32, #tpu.memory_space<hbm>>
      %dma_start3A_874 = arith.constant 0 : i32
      %dma_start3A_875 = tpu.memref_slice %arg4[%mul3A_866, %dma_start3A_874] : memref<819200x128xf32, #tpu.memory_space<hbm>> -> memref<512x64xf32, #tpu.memory_space<hbm>>
      %dma_start3A_876 = arith.constant 0 : i32
      %dma_start3A_877 = arith.constant 0 : i32
      %dma_start3A_878 = tpu.memref_slice %arg6[%dma_start3A_867, %dma_start3A_876, %dma_start3A_877] : memref<3x512x64xf32, #tpu.memory_space<vmem>> -> memref<1x512x64xf32, #tpu.memory_space<vmem>>
      %dma_start3A_879 = tpu.memref_squeeze %dma_start3A_878 : memref<1x512x64xf32, #tpu.memory_space<vmem>> -> memref<512x64xf32, #tpu.memory_space<vmem>>
      tpu.enqueue_dma source(%dma_start3A_879 : memref<512x64xf32, #tpu.memory_space<vmem>>) target(%dma_start3A_875 : memref<512x64xf32, #tpu.memory_space<hbm>>) target_semaphore(%arg15 : memref<!tpu.dma_semaphore, #tpu.memory_space<semaphore_mem>>)
    }
    %scan3A_102 = arith.constant 16 : i32
    %add3A_103 = arith.constant 196 : i32
    %add3A_104 = arith.addi %mul3A_2, %add3A_103 : i32
    %dma_wait3A_105 = arith.constant 1 : i32
    %dma_wait3A_106 = arith.constant 0 : i32
    %dma_wait3A_107 = arith.constant 0 : i32
    %dma_wait3A_108 = tpu.memref_slice %arg5[%dma_wait3A_105, %dma_wait3A_106, %dma_wait3A_107] : memref<3x4x128xi32, #tpu.memory_space<vmem>> -> memref<1x4x128xi32, #tpu.memory_space<vmem>>
    %dma_wait3A_109 = tpu.memref_squeeze %dma_wait3A_108 : memref<1x4x128xi32, #tpu.memory_space<vmem>> -> memref<4x128xi32, #tpu.memory_space<vmem>>
    %dma_wait3A_110 = arith.constant 0 : i32
    %dma_wait3A_111 = tpu.memref_slice %arg2[%add3A_104, %dma_wait3A_110] : memref<6400x128xi32, #tpu.memory_space<hbm>> -> memref<4x128xi32, #tpu.memory_space<hbm>>
    %dma_wait3A_112 = arith.constant 0 : i32
    %dma_wait3A_113 = arith.constant 0 : i32
    %dma_wait3A_114 = tpu.memref_slice %arg5[%dma_wait3A_105, %dma_wait3A_112, %dma_wait3A_113] : memref<3x4x128xi32, #tpu.memory_space<vmem>> -> memref<1x4x128xi32, #tpu.memory_space<vmem>>
    %dma_wait3A_115 = tpu.memref_squeeze %dma_wait3A_114 : memref<1x4x128xi32, #tpu.memory_space<vmem>> -> memref<4x128xi32, #tpu.memory_space<vmem>>
    %dma_wait3A_116 = arith.constant 0 : i32
    %dma_wait3A_117 = tpu.memref_slice %arg2[%add3A_104, %dma_wait3A_116] : memref<6400x128xi32, #tpu.memory_space<hbm>> -> memref<4x128xi32, #tpu.memory_space<hbm>>
    tpu.wait_dma2 semaphore(%arg8 : memref<!tpu.dma_semaphore, #tpu.memory_space<semaphore_mem>>) src(%dma_wait3A_117 : memref<4x128xi32, #tpu.memory_space<hbm>>) dst(%dma_wait3A_115 : memref<4x128xi32, #tpu.memory_space<vmem>>)
    %add3A_118 = arith.constant 184 : i32
    %add3A_119 = arith.addi %mul3A_2, %add3A_118 : i32
    %mul3A_120 = arith.constant 128 : i32
    %mul3A_121 = arith.muli %add3A_119, %mul3A_120 : i32
    %dma_wait3A_122 = arith.constant 1 : i32
    %dma_wait3A_123 = arith.constant 0 : i32
    %dma_wait3A_124 = arith.constant 0 : i32
    %dma_wait3A_125 = tpu.memref_slice %arg6[%dma_wait3A_122, %dma_wait3A_123, %dma_wait3A_124] : memref<3x512x64xf32, #tpu.memory_space<vmem>> -> memref<1x512x64xf32, #tpu.memory_space<vmem>>
    %dma_wait3A_126 = tpu.memref_squeeze %dma_wait3A_125 : memref<1x512x64xf32, #tpu.memory_space<vmem>> -> memref<512x64xf32, #tpu.memory_space<vmem>>
    %dma_wait3A_127 = arith.constant 0 : i32
    %dma_wait3A_128 = tpu.memref_slice %arg4[%mul3A_121, %dma_wait3A_127] : memref<819200x128xf32, #tpu.memory_space<hbm>> -> memref<512x64xf32, #tpu.memory_space<hbm>>
    %dma_wait3A_129 = arith.constant 0 : i32
    %dma_wait3A_130 = tpu.memref_slice %arg4[%mul3A_121, %dma_wait3A_129] : memref<819200x128xf32, #tpu.memory_space<hbm>> -> memref<512x64xf32, #tpu.memory_space<hbm>>
    %dma_wait3A_131 = arith.constant 0 : i32
    %dma_wait3A_132 = arith.constant 0 : i32
    %dma_wait3A_133 = tpu.memref_slice %arg6[%dma_wait3A_122, %dma_wait3A_131, %dma_wait3A_132] : memref<3x512x64xf32, #tpu.memory_space<vmem>> -> memref<1x512x64xf32, #tpu.memory_space<vmem>>
    %dma_wait3A_134 = tpu.memref_squeeze %dma_wait3A_133 : memref<1x512x64xf32, #tpu.memory_space<vmem>> -> memref<512x64xf32, #tpu.memory_space<vmem>>
    tpu.wait_dma2 semaphore(%arg14 : memref<!tpu.dma_semaphore, #tpu.memory_space<semaphore_mem>>) src(%dma_wait3A_134 : memref<512x64xf32, #tpu.memory_space<vmem>>) dst(%dma_wait3A_130 : memref<512x64xf32, #tpu.memory_space<hbm>>)
    %dma_start3A_135 = arith.constant 1 : i32
    %dma_start3A_136 = arith.constant 0 : i32
    %dma_start3A_137 = arith.constant 1 : i32
    %dma_start3A_138 = arith.constant 0 : i32
    %dma_start3A_139 = arith.constant 0 : i32
    %dma_start3A_140 = tpu.memref_slice %arg6[%dma_start3A_137, %dma_start3A_138, %dma_start3A_139] : memref<3x512x64xf32, #tpu.memory_space<vmem>> -> memref<1x128x64xf32, #tpu.memory_space<vmem>>
    %dma_start3A_141 = tpu.memref_squeeze %dma_start3A_140 : memref<1x128x64xf32, #tpu.memory_space<vmem>> -> memref<128x64xf32, #tpu.memory_space<vmem>>
    %dma_start3A_142 = arith.constant 0 : i32
    %dma_start3A_143 = tpu.memref_slice %arg5[%dma_start3A_135, %dma_start3A_136, %dma_start3A_142] : memref<3x4x128xi32, #tpu.memory_space<vmem>> -> memref<1x1x128xi32, #tpu.memory_space<vmem>>
    %dma_start3A_144 = tpu.memref_squeeze %dma_start3A_143 : memref<1x1x128xi32, #tpu.memory_space<vmem>> -> memref<128xi32, #tpu.memory_space<vmem>>
    %dma_start3A_145 = arith.constant 0 : i32
    %dma_start3A_146 = arith.constant 0 : i32
    %dma_start3A_147 = tpu.memref_slice %arg3[%dma_start3A_145, %dma_start3A_146] : memref<1000000x64xf32, #tpu.memory_space<hbm>> -> memref<1000000x64xf32, #tpu.memory_space<hbm>>
    tpu.enqueue_indirect_dma source(%dma_start3A_147 : memref<1000000x64xf32, #tpu.memory_space<hbm>>) target(%dma_start3A_141 : memref<128x64xf32, #tpu.memory_space<vmem>>) offsets(%dma_start3A_144 : memref<128xi32, #tpu.memory_space<vmem>>) semaphore(%arg11 : memref<!tpu.dma_semaphore, #tpu.memory_space<semaphore_mem>>)
    %dma_start3A_148 = arith.constant 1 : i32
    %dma_start3A_149 = arith.constant 1 : i32
    %dma_start3A_150 = arith.constant 1 : i32
    %dma_start3A_151 = arith.constant 128 : i32
    %dma_start3A_152 = arith.constant 0 : i32
    %dma_start3A_153 = tpu.memref_slice %arg6[%dma_start3A_150, %dma_start3A_151, %dma_start3A_152] : memref<3x512x64xf32, #tpu.memory_space<vmem>> -> memref<1x128x64xf32, #tpu.memory_space<vmem>>
    %dma_start3A_154 = tpu.memref_squeeze %dma_start3A_153 : memref<1x128x64xf32, #tpu.memory_space<vmem>> -> memref<128x64xf32, #tpu.memory_space<vmem>>
    %dma_start3A_155 = arith.constant 0 : i32
    %dma_start3A_156 = tpu.memref_slice %arg5[%dma_start3A_148, %dma_start3A_149, %dma_start3A_155] : memref<3x4x128xi32, #tpu.memory_space<vmem>> -> memref<1x1x128xi32, #tpu.memory_space<vmem>>
    %dma_start3A_157 = tpu.memref_squeeze %dma_start3A_156 : memref<1x1x128xi32, #tpu.memory_space<vmem>> -> memref<128xi32, #tpu.memory_space<vmem>>
    %dma_start3A_158 = arith.constant 0 : i32
    %dma_start3A_159 = arith.constant 0 : i32
    %dma_start3A_160 = tpu.memref_slice %arg3[%dma_start3A_158, %dma_start3A_159] : memref<1000000x64xf32, #tpu.memory_space<hbm>> -> memref<1000000x64xf32, #tpu.memory_space<hbm>>
    tpu.enqueue_indirect_dma source(%dma_start3A_160 : memref<1000000x64xf32, #tpu.memory_space<hbm>>) target(%dma_start3A_154 : memref<128x64xf32, #tpu.memory_space<vmem>>) offsets(%dma_start3A_157 : memref<128xi32, #tpu.memory_space<vmem>>) semaphore(%arg11 : memref<!tpu.dma_semaphore, #tpu.memory_space<semaphore_mem>>)
    %dma_start3A_161 = arith.constant 1 : i32
    %dma_start3A_162 = arith.constant 2 : i32
    %dma_start3A_163 = arith.constant 1 : i32
    %dma_start3A_164 = arith.constant 256 : i32
    %dma_start3A_165 = arith.constant 0 : i32
    %dma_start3A_166 = tpu.memref_slice %arg6[%dma_start3A_163, %dma_start3A_164, %dma_start3A_165] : memref<3x512x64xf32, #tpu.memory_space<vmem>> -> memref<1x128x64xf32, #tpu.memory_space<vmem>>
    %dma_start3A_167 = tpu.memref_squeeze %dma_start3A_166 : memref<1x128x64xf32, #tpu.memory_space<vmem>> -> memref<128x64xf32, #tpu.memory_space<vmem>>
    %dma_start3A_168 = arith.constant 0 : i32
    %dma_start3A_169 = tpu.memref_slice %arg5[%dma_start3A_161, %dma_start3A_162, %dma_start3A_168] : memref<3x4x128xi32, #tpu.memory_space<vmem>> -> memref<1x1x128xi32, #tpu.memory_space<vmem>>
    %dma_start3A_170 = tpu.memref_squeeze %dma_start3A_169 : memref<1x1x128xi32, #tpu.memory_space<vmem>> -> memref<128xi32, #tpu.memory_space<vmem>>
    %dma_start3A_171 = arith.constant 0 : i32
    %dma_start3A_172 = arith.constant 0 : i32
    %dma_start3A_173 = tpu.memref_slice %arg3[%dma_start3A_171, %dma_start3A_172] : memref<1000000x64xf32, #tpu.memory_space<hbm>> -> memref<1000000x64xf32, #tpu.memory_space<hbm>>
    tpu.enqueue_indirect_dma source(%dma_start3A_173 : memref<1000000x64xf32, #tpu.memory_space<hbm>>) target(%dma_start3A_167 : memref<128x64xf32, #tpu.memory_space<vmem>>) offsets(%dma_start3A_170 : memref<128xi32, #tpu.memory_space<vmem>>) semaphore(%arg11 : memref<!tpu.dma_semaphore, #tpu.memory_space<semaphore_mem>>)
    %dma_start3A_174 = arith.constant 1 : i32
    %dma_start3A_175 = arith.constant 3 : i32
    %dma_start3A_176 = arith.constant 1 : i32
    %dma_start3A_177 = arith.constant 384 : i32
    %dma_start3A_178 = arith.constant 0 : i32
    %dma_start3A_179 = tpu.memref_slice %arg6[%dma_start3A_176, %dma_start3A_177, %dma_start3A_178] : memref<3x512x64xf32, #tpu.memory_space<vmem>> -> memref<1x128x64xf32, #tpu.memory_space<vmem>>
    %dma_start3A_180 = tpu.memref_squeeze %dma_start3A_179 : memref<1x128x64xf32, #tpu.memory_space<vmem>> -> memref<128x64xf32, #tpu.memory_space<vmem>>
    %dma_start3A_181 = arith.constant 0 : i32
    %dma_start3A_182 = tpu.memref_slice %arg5[%dma_start3A_174, %dma_start3A_175, %dma_start3A_181] : memref<3x4x128xi32, #tpu.memory_space<vmem>> -> memref<1x1x128xi32, #tpu.memory_space<vmem>>
    %dma_start3A_183 = tpu.memref_squeeze %dma_start3A_182 : memref<1x1x128xi32, #tpu.memory_space<vmem>> -> memref<128xi32, #tpu.memory_space<vmem>>
    %dma_start3A_184 = arith.constant 0 : i32
    %dma_start3A_185 = arith.constant 0 : i32
    %dma_start3A_186 = tpu.memref_slice %arg3[%dma_start3A_184, %dma_start3A_185] : memref<1000000x64xf32, #tpu.memory_space<hbm>> -> memref<1000000x64xf32, #tpu.memory_space<hbm>>
    tpu.enqueue_indirect_dma source(%dma_start3A_186 : memref<1000000x64xf32, #tpu.memory_space<hbm>>) target(%dma_start3A_180 : memref<128x64xf32, #tpu.memory_space<vmem>>) offsets(%dma_start3A_183 : memref<128xi32, #tpu.memory_space<vmem>>) semaphore(%arg11 : memref<!tpu.dma_semaphore, #tpu.memory_space<semaphore_mem>>)
    %dma_wait3A_187 = arith.constant 0 : i32
    %dma_wait3A_188 = arith.constant 0 : i32
    %dma_wait3A_189 = arith.constant 0 : i32
    %dma_wait3A_190 = arith.constant 0 : i32
    %dma_wait3A_191 = arith.constant 0 : i32
    %dma_wait3A_192 = tpu.memref_slice %arg6[%dma_wait3A_189, %dma_wait3A_190, %dma_wait3A_191] : memref<3x512x64xf32, #tpu.memory_space<vmem>> -> memref<1x128x64xf32, #tpu.memory_space<vmem>>
    %dma_wait3A_193 = tpu.memref_squeeze %dma_wait3A_192 : memref<1x128x64xf32, #tpu.memory_space<vmem>> -> memref<128x64xf32, #tpu.memory_space<vmem>>
    %dma_wait3A_194 = arith.constant 0 : i32
    %dma_wait3A_195 = tpu.memref_slice %arg5[%dma_wait3A_187, %dma_wait3A_188, %dma_wait3A_194] : memref<3x4x128xi32, #tpu.memory_space<vmem>> -> memref<1x1x128xi32, #tpu.memory_space<vmem>>
    %dma_wait3A_196 = tpu.memref_squeeze %dma_wait3A_195 : memref<1x1x128xi32, #tpu.memory_space<vmem>> -> memref<128xi32, #tpu.memory_space<vmem>>
    %dma_wait3A_197 = arith.constant 0 : i32
    %dma_wait3A_198 = arith.constant 0 : i32
    %dma_wait3A_199 = tpu.memref_slice %arg3[%dma_wait3A_197, %dma_wait3A_198] : memref<1000000x64xf32, #tpu.memory_space<hbm>> -> memref<1000000x64xf32, #tpu.memory_space<hbm>>
    tpu.wait_indirect_dma semaphore(%arg10 : memref<!tpu.dma_semaphore, #tpu.memory_space<semaphore_mem>>) src(%dma_wait3A_199 : memref<1000000x64xf32, #tpu.memory_space<hbm>>) dst(%dma_wait3A_193 : memref<128x64xf32, #tpu.memory_space<vmem>>)
    %dma_wait3A_200 = arith.constant 0 : i32
    %dma_wait3A_201 = arith.constant 1 : i32
    %dma_wait3A_202 = arith.constant 0 : i32
    %dma_wait3A_203 = arith.constant 128 : i32
    %dma_wait3A_204 = arith.constant 0 : i32
    %dma_wait3A_205 = tpu.memref_slice %arg6[%dma_wait3A_202, %dma_wait3A_203, %dma_wait3A_204] : memref<3x512x64xf32, #tpu.memory_space<vmem>> -> memref<1x128x64xf32, #tpu.memory_space<vmem>>
    %dma_wait3A_206 = tpu.memref_squeeze %dma_wait3A_205 : memref<1x128x64xf32, #tpu.memory_space<vmem>> -> memref<128x64xf32, #tpu.memory_space<vmem>>
    %dma_wait3A_207 = arith.constant 0 : i32
    %dma_wait3A_208 = tpu.memref_slice %arg5[%dma_wait3A_200, %dma_wait3A_201, %dma_wait3A_207] : memref<3x4x128xi32, #tpu.memory_space<vmem>> -> memref<1x1x128xi32, #tpu.memory_space<vmem>>
    %dma_wait3A_209 = tpu.memref_squeeze %dma_wait3A_208 : memref<1x1x128xi32, #tpu.memory_space<vmem>> -> memref<128xi32, #tpu.memory_space<vmem>>
    %dma_wait3A_210 = arith.constant 0 : i32
    %dma_wait3A_211 = arith.constant 0 : i32
    %dma_wait3A_212 = tpu.memref_slice %arg3[%dma_wait3A_210, %dma_wait3A_211] : memref<1000000x64xf32, #tpu.memory_space<hbm>> -> memref<1000000x64xf32, #tpu.memory_space<hbm>>
    tpu.wait_indirect_dma semaphore(%arg10 : memref<!tpu.dma_semaphore, #tpu.memory_space<semaphore_mem>>) src(%dma_wait3A_212 : memref<1000000x64xf32, #tpu.memory_space<hbm>>) dst(%dma_wait3A_206 : memref<128x64xf32, #tpu.memory_space<vmem>>)
    %dma_wait3A_213 = arith.constant 0 : i32
    %dma_wait3A_214 = arith.constant 2 : i32
    %dma_wait3A_215 = arith.constant 0 : i32
    %dma_wait3A_216 = arith.constant 256 : i32
    %dma_wait3A_217 = arith.constant 0 : i32
    %dma_wait3A_218 = tpu.memref_slice %arg6[%dma_wait3A_215, %dma_wait3A_216, %dma_wait3A_217] : memref<3x512x64xf32, #tpu.memory_space<vmem>> -> memref<1x128x64xf32, #tpu.memory_space<vmem>>
    %dma_wait3A_219 = tpu.memref_squeeze %dma_wait3A_218 : memref<1x128x64xf32, #tpu.memory_space<vmem>> -> memref<128x64xf32, #tpu.memory_space<vmem>>
    %dma_wait3A_220 = arith.constant 0 : i32
    %dma_wait3A_221 = tpu.memref_slice %arg5[%dma_wait3A_213, %dma_wait3A_214, %dma_wait3A_220] : memref<3x4x128xi32, #tpu.memory_space<vmem>> -> memref<1x1x128xi32, #tpu.memory_space<vmem>>
    %dma_wait3A_222 = tpu.memref_squeeze %dma_wait3A_221 : memref<1x1x128xi32, #tpu.memory_space<vmem>> -> memref<128xi32, #tpu.memory_space<vmem>>
    %dma_wait3A_223 = arith.constant 0 : i32
    %dma_wait3A_224 = arith.constant 0 : i32
    %dma_wait3A_225 = tpu.memref_slice %arg3[%dma_wait3A_223, %dma_wait3A_224] : memref<1000000x64xf32, #tpu.memory_space<hbm>> -> memref<1000000x64xf32, #tpu.memory_space<hbm>>
    tpu.wait_indirect_dma semaphore(%arg10 : memref<!tpu.dma_semaphore, #tpu.memory_space<semaphore_mem>>) src(%dma_wait3A_225 : memref<1000000x64xf32, #tpu.memory_space<hbm>>) dst(%dma_wait3A_219 : memref<128x64xf32, #tpu.memory_space<vmem>>)
    %dma_wait3A_226 = arith.constant 0 : i32
    %dma_wait3A_227 = arith.constant 3 : i32
    %dma_wait3A_228 = arith.constant 0 : i32
    %dma_wait3A_229 = arith.constant 384 : i32
    %dma_wait3A_230 = arith.constant 0 : i32
    %dma_wait3A_231 = tpu.memref_slice %arg6[%dma_wait3A_228, %dma_wait3A_229, %dma_wait3A_230] : memref<3x512x64xf32, #tpu.memory_space<vmem>> -> memref<1x128x64xf32, #tpu.memory_space<vmem>>
    %dma_wait3A_232 = tpu.memref_squeeze %dma_wait3A_231 : memref<1x128x64xf32, #tpu.memory_space<vmem>> -> memref<128x64xf32, #tpu.memory_space<vmem>>
    %dma_wait3A_233 = arith.constant 0 : i32
    %dma_wait3A_234 = tpu.memref_slice %arg5[%dma_wait3A_226, %dma_wait3A_227, %dma_wait3A_233] : memref<3x4x128xi32, #tpu.memory_space<vmem>> -> memref<1x1x128xi32, #tpu.memory_space<vmem>>
    %dma_wait3A_235 = tpu.memref_squeeze %dma_wait3A_234 : memref<1x1x128xi32, #tpu.memory_space<vmem>> -> memref<128xi32, #tpu.memory_space<vmem>>
    %dma_wait3A_236 = arith.constant 0 : i32
    %dma_wait3A_237 = arith.constant 0 : i32
    %dma_wait3A_238 = tpu.memref_slice %arg3[%dma_wait3A_236, %dma_wait3A_237] : memref<1000000x64xf32, #tpu.memory_space<hbm>> -> memref<1000000x64xf32, #tpu.memory_space<hbm>>
    tpu.wait_indirect_dma semaphore(%arg10 : memref<!tpu.dma_semaphore, #tpu.memory_space<semaphore_mem>>) src(%dma_wait3A_238 : memref<1000000x64xf32, #tpu.memory_space<hbm>>) dst(%dma_wait3A_232 : memref<128x64xf32, #tpu.memory_space<vmem>>)
    %add3A_239 = arith.constant 192 : i32
    %add3A_240 = arith.addi %mul3A_2, %add3A_239 : i32
    %mul3A_241 = arith.constant 128 : i32
    %mul3A_242 = arith.muli %add3A_240, %mul3A_241 : i32
    %dma_start3A_243 = arith.constant 0 : i32
    %dma_start3A_244 = arith.constant 0 : i32
    %dma_start3A_245 = arith.constant 0 : i32
    %dma_start3A_246 = tpu.memref_slice %arg6[%dma_start3A_243, %dma_start3A_244, %dma_start3A_245] : memref<3x512x64xf32, #tpu.memory_space<vmem>> -> memref<1x512x64xf32, #tpu.memory_space<vmem>>
    %dma_start3A_247 = tpu.memref_squeeze %dma_start3A_246 : memref<1x512x64xf32, #tpu.memory_space<vmem>> -> memref<512x64xf32, #tpu.memory_space<vmem>>
    %dma_start3A_248 = arith.constant 0 : i32
    %dma_start3A_249 = tpu.memref_slice %arg4[%mul3A_242, %dma_start3A_248] : memref<819200x128xf32, #tpu.memory_space<hbm>> -> memref<512x64xf32, #tpu.memory_space<hbm>>
    %dma_start3A_250 = arith.constant 0 : i32
    %dma_start3A_251 = tpu.memref_slice %arg4[%mul3A_242, %dma_start3A_250] : memref<819200x128xf32, #tpu.memory_space<hbm>> -> memref<512x64xf32, #tpu.memory_space<hbm>>
    %dma_start3A_252 = arith.constant 0 : i32
    %dma_start3A_253 = arith.constant 0 : i32
    %dma_start3A_254 = tpu.memref_slice %arg6[%dma_start3A_243, %dma_start3A_252, %dma_start3A_253] : memref<3x512x64xf32, #tpu.memory_space<vmem>> -> memref<1x512x64xf32, #tpu.memory_space<vmem>>
    %dma_start3A_255 = tpu.memref_squeeze %dma_start3A_254 : memref<1x512x64xf32, #tpu.memory_space<vmem>> -> memref<512x64xf32, #tpu.memory_space<vmem>>
    tpu.enqueue_dma source(%dma_start3A_255 : memref<512x64xf32, #tpu.memory_space<vmem>>) target(%dma_start3A_251 : memref<512x64xf32, #tpu.memory_space<hbm>>) target_semaphore(%arg13 : memref<!tpu.dma_semaphore, #tpu.memory_space<semaphore_mem>>)
    %dma_wait3A_256 = arith.constant 1 : i32
    %dma_wait3A_257 = arith.constant 0 : i32
    %dma_wait3A_258 = arith.constant 1 : i32
    %dma_wait3A_259 = arith.constant 0 : i32
    %dma_wait3A_260 = arith.constant 0 : i32
    %dma_wait3A_261 = tpu.memref_slice %arg6[%dma_wait3A_258, %dma_wait3A_259, %dma_wait3A_260] : memref<3x512x64xf32, #tpu.memory_space<vmem>> -> memref<1x128x64xf32, #tpu.memory_space<vmem>>
    %dma_wait3A_262 = tpu.memref_squeeze %dma_wait3A_261 : memref<1x128x64xf32, #tpu.memory_space<vmem>> -> memref<128x64xf32, #tpu.memory_space<vmem>>
    %dma_wait3A_263 = arith.constant 0 : i32
    %dma_wait3A_264 = tpu.memref_slice %arg5[%dma_wait3A_256, %dma_wait3A_257, %dma_wait3A_263] : memref<3x4x128xi32, #tpu.memory_space<vmem>> -> memref<1x1x128xi32, #tpu.memory_space<vmem>>
    %dma_wait3A_265 = tpu.memref_squeeze %dma_wait3A_264 : memref<1x1x128xi32, #tpu.memory_space<vmem>> -> memref<128xi32, #tpu.memory_space<vmem>>
    %dma_wait3A_266 = arith.constant 0 : i32
    %dma_wait3A_267 = arith.constant 0 : i32
    %dma_wait3A_268 = tpu.memref_slice %arg3[%dma_wait3A_266, %dma_wait3A_267] : memref<1000000x64xf32, #tpu.memory_space<hbm>> -> memref<1000000x64xf32, #tpu.memory_space<hbm>>
    tpu.wait_indirect_dma semaphore(%arg11 : memref<!tpu.dma_semaphore, #tpu.memory_space<semaphore_mem>>) src(%dma_wait3A_268 : memref<1000000x64xf32, #tpu.memory_space<hbm>>) dst(%dma_wait3A_262 : memref<128x64xf32, #tpu.memory_space<vmem>>)
    %dma_wait3A_269 = arith.constant 1 : i32
    %dma_wait3A_270 = arith.constant 1 : i32
    %dma_wait3A_271 = arith.constant 1 : i32
    %dma_wait3A_272 = arith.constant 128 : i32
    %dma_wait3A_273 = arith.constant 0 : i32
    %dma_wait3A_274 = tpu.memref_slice %arg6[%dma_wait3A_271, %dma_wait3A_272, %dma_wait3A_273] : memref<3x512x64xf32, #tpu.memory_space<vmem>> -> memref<1x128x64xf32, #tpu.memory_space<vmem>>
    %dma_wait3A_275 = tpu.memref_squeeze %dma_wait3A_274 : memref<1x128x64xf32, #tpu.memory_space<vmem>> -> memref<128x64xf32, #tpu.memory_space<vmem>>
    %dma_wait3A_276 = arith.constant 0 : i32
    %dma_wait3A_277 = tpu.memref_slice %arg5[%dma_wait3A_269, %dma_wait3A_270, %dma_wait3A_276] : memref<3x4x128xi32, #tpu.memory_space<vmem>> -> memref<1x1x128xi32, #tpu.memory_space<vmem>>
    %dma_wait3A_278 = tpu.memref_squeeze %dma_wait3A_277 : memref<1x1x128xi32, #tpu.memory_space<vmem>> -> memref<128xi32, #tpu.memory_space<vmem>>
    %dma_wait3A_279 = arith.constant 0 : i32
    %dma_wait3A_280 = arith.constant 0 : i32
    %dma_wait3A_281 = tpu.memref_slice %arg3[%dma_wait3A_279, %dma_wait3A_280] : memref<1000000x64xf32, #tpu.memory_space<hbm>> -> memref<1000000x64xf32, #tpu.memory_space<hbm>>
    tpu.wait_indirect_dma semaphore(%arg11 : memref<!tpu.dma_semaphore, #tpu.memory_space<semaphore_mem>>) src(%dma_wait3A_281 : memref<1000000x64xf32, #tpu.memory_space<hbm>>) dst(%dma_wait3A_275 : memref<128x64xf32, #tpu.memory_space<vmem>>)
    %dma_wait3A_282 = arith.constant 1 : i32
    %dma_wait3A_283 = arith.constant 2 : i32
    %dma_wait3A_284 = arith.constant 1 : i32
    %dma_wait3A_285 = arith.constant 256 : i32
    %dma_wait3A_286 = arith.constant 0 : i32
    %dma_wait3A_287 = tpu.memref_slice %arg6[%dma_wait3A_284, %dma_wait3A_285, %dma_wait3A_286] : memref<3x512x64xf32, #tpu.memory_space<vmem>> -> memref<1x128x64xf32, #tpu.memory_space<vmem>>
    %dma_wait3A_288 = tpu.memref_squeeze %dma_wait3A_287 : memref<1x128x64xf32, #tpu.memory_space<vmem>> -> memref<128x64xf32, #tpu.memory_space<vmem>>
    %dma_wait3A_289 = arith.constant 0 : i32
    %dma_wait3A_290 = tpu.memref_slice %arg5[%dma_wait3A_282, %dma_wait3A_283, %dma_wait3A_289] : memref<3x4x128xi32, #tpu.memory_space<vmem>> -> memref<1x1x128xi32, #tpu.memory_space<vmem>>
    %dma_wait3A_291 = tpu.memref_squeeze %dma_wait3A_290 : memref<1x1x128xi32, #tpu.memory_space<vmem>> -> memref<128xi32, #tpu.memory_space<vmem>>
    %dma_wait3A_292 = arith.constant 0 : i32
    %dma_wait3A_293 = arith.constant 0 : i32
    %dma_wait3A_294 = tpu.memref_slice %arg3[%dma_wait3A_292, %dma_wait3A_293] : memref<1000000x64xf32, #tpu.memory_space<hbm>> -> memref<1000000x64xf32, #tpu.memory_space<hbm>>
    tpu.wait_indirect_dma semaphore(%arg11 : memref<!tpu.dma_semaphore, #tpu.memory_space<semaphore_mem>>) src(%dma_wait3A_294 : memref<1000000x64xf32, #tpu.memory_space<hbm>>) dst(%dma_wait3A_288 : memref<128x64xf32, #tpu.memory_space<vmem>>)
    %dma_wait3A_295 = arith.constant 1 : i32
    %dma_wait3A_296 = arith.constant 3 : i32
    %dma_wait3A_297 = arith.constant 1 : i32
    %dma_wait3A_298 = arith.constant 384 : i32
    %dma_wait3A_299 = arith.constant 0 : i32
    %dma_wait3A_300 = tpu.memref_slice %arg6[%dma_wait3A_297, %dma_wait3A_298, %dma_wait3A_299] : memref<3x512x64xf32, #tpu.memory_space<vmem>> -> memref<1x128x64xf32, #tpu.memory_space<vmem>>
    %dma_wait3A_301 = tpu.memref_squeeze %dma_wait3A_300 : memref<1x128x64xf32, #tpu.memory_space<vmem>> -> memref<128x64xf32, #tpu.memory_space<vmem>>
    %dma_wait3A_302 = arith.constant 0 : i32
    %dma_wait3A_303 = tpu.memref_slice %arg5[%dma_wait3A_295, %dma_wait3A_296, %dma_wait3A_302] : memref<3x4x128xi32, #tpu.memory_space<vmem>> -> memref<1x1x128xi32, #tpu.memory_space<vmem>>
    %dma_wait3A_304 = tpu.memref_squeeze %dma_wait3A_303 : memref<1x1x128xi32, #tpu.memory_space<vmem>> -> memref<128xi32, #tpu.memory_space<vmem>>
    %dma_wait3A_305 = arith.constant 0 : i32
    %dma_wait3A_306 = arith.constant 0 : i32
    %dma_wait3A_307 = tpu.memref_slice %arg3[%dma_wait3A_305, %dma_wait3A_306] : memref<1000000x64xf32, #tpu.memory_space<hbm>> -> memref<1000000x64xf32, #tpu.memory_space<hbm>>
    tpu.wait_indirect_dma semaphore(%arg11 : memref<!tpu.dma_semaphore, #tpu.memory_space<semaphore_mem>>) src(%dma_wait3A_307 : memref<1000000x64xf32, #tpu.memory_space<hbm>>) dst(%dma_wait3A_301 : memref<128x64xf32, #tpu.memory_space<vmem>>)
    %add3A_308 = arith.constant 196 : i32
    %add3A_309 = arith.addi %mul3A_2, %add3A_308 : i32
    %mul3A_310 = arith.constant 128 : i32
    %mul3A_311 = arith.muli %add3A_309, %mul3A_310 : i32
    %dma_start3A_312 = arith.constant 1 : i32
    %dma_start3A_313 = arith.constant 0 : i32
    %dma_start3A_314 = arith.constant 0 : i32
    %dma_start3A_315 = tpu.memref_slice %arg6[%dma_start3A_312, %dma_start3A_313, %dma_start3A_314] : memref<3x512x64xf32, #tpu.memory_space<vmem>> -> memref<1x512x64xf32, #tpu.memory_space<vmem>>
    %dma_start3A_316 = tpu.memref_squeeze %dma_start3A_315 : memref<1x512x64xf32, #tpu.memory_space<vmem>> -> memref<512x64xf32, #tpu.memory_space<vmem>>
    %dma_start3A_317 = arith.constant 0 : i32
    %dma_start3A_318 = tpu.memref_slice %arg4[%mul3A_311, %dma_start3A_317] : memref<819200x128xf32, #tpu.memory_space<hbm>> -> memref<512x64xf32, #tpu.memory_space<hbm>>
    %dma_start3A_319 = arith.constant 0 : i32
    %dma_start3A_320 = tpu.memref_slice %arg4[%mul3A_311, %dma_start3A_319] : memref<819200x128xf32, #tpu.memory_space<hbm>> -> memref<512x64xf32, #tpu.memory_space<hbm>>
    %dma_start3A_321 = arith.constant 0 : i32
    %dma_start3A_322 = arith.constant 0 : i32
    %dma_start3A_323 = tpu.memref_slice %arg6[%dma_start3A_312, %dma_start3A_321, %dma_start3A_322] : memref<3x512x64xf32, #tpu.memory_space<vmem>> -> memref<1x512x64xf32, #tpu.memory_space<vmem>>
    %dma_start3A_324 = tpu.memref_squeeze %dma_start3A_323 : memref<1x512x64xf32, #tpu.memory_space<vmem>> -> memref<512x64xf32, #tpu.memory_space<vmem>>
    tpu.enqueue_dma source(%dma_start3A_324 : memref<512x64xf32, #tpu.memory_space<vmem>>) target(%dma_start3A_320 : memref<512x64xf32, #tpu.memory_space<hbm>>) target_semaphore(%arg14 : memref<!tpu.dma_semaphore, #tpu.memory_space<semaphore_mem>>)
    %add3A_325 = arith.constant 188 : i32
    %add3A_326 = arith.addi %mul3A_2, %add3A_325 : i32
    %mul3A_327 = arith.constant 128 : i32
    %mul3A_328 = arith.muli %add3A_326, %mul3A_327 : i32
    %dma_wait3A_329 = arith.constant 2 : i32
    %dma_wait3A_330 = arith.constant 0 : i32
    %dma_wait3A_331 = arith.constant 0 : i32
    %dma_wait3A_332 = tpu.memref_slice %arg6[%dma_wait3A_329, %dma_wait3A_330, %dma_wait3A_331] : memref<3x512x64xf32, #tpu.memory_space<vmem>> -> memref<1x512x64xf32, #tpu.memory_space<vmem>>
    %dma_wait3A_333 = tpu.memref_squeeze %dma_wait3A_332 : memref<1x512x64xf32, #tpu.memory_space<vmem>> -> memref<512x64xf32, #tpu.memory_space<vmem>>
    %dma_wait3A_334 = arith.constant 0 : i32
    %dma_wait3A_335 = tpu.memref_slice %arg4[%mul3A_328, %dma_wait3A_334] : memref<819200x128xf32, #tpu.memory_space<hbm>> -> memref<512x64xf32, #tpu.memory_space<hbm>>
    %dma_wait3A_336 = arith.constant 0 : i32
    %dma_wait3A_337 = tpu.memref_slice %arg4[%mul3A_328, %dma_wait3A_336] : memref<819200x128xf32, #tpu.memory_space<hbm>> -> memref<512x64xf32, #tpu.memory_space<hbm>>
    %dma_wait3A_338 = arith.constant 0 : i32
    %dma_wait3A_339 = arith.constant 0 : i32
    %dma_wait3A_340 = tpu.memref_slice %arg6[%dma_wait3A_329, %dma_wait3A_338, %dma_wait3A_339] : memref<3x512x64xf32, #tpu.memory_space<vmem>> -> memref<1x512x64xf32, #tpu.memory_space<vmem>>
    %dma_wait3A_341 = tpu.memref_squeeze %dma_wait3A_340 : memref<1x512x64xf32, #tpu.memory_space<vmem>> -> memref<512x64xf32, #tpu.memory_space<vmem>>
    tpu.wait_dma2 semaphore(%arg15 : memref<!tpu.dma_semaphore, #tpu.memory_space<semaphore_mem>>) src(%dma_wait3A_341 : memref<512x64xf32, #tpu.memory_space<vmem>>) dst(%dma_wait3A_337 : memref<512x64xf32, #tpu.memory_space<hbm>>)
    %add3A_342 = arith.constant 192 : i32
    %add3A_343 = arith.addi %mul3A_2, %add3A_342 : i32
    %mul3A_344 = arith.constant 128 : i32
    %mul3A_345 = arith.muli %add3A_343, %mul3A_344 : i32
    %dma_wait3A_346 = arith.constant 0 : i32
    %dma_wait3A_347 = arith.constant 0 : i32
    %dma_wait3A_348 = arith.constant 0 : i32
    %dma_wait3A_349 = tpu.memref_slice %arg6[%dma_wait3A_346, %dma_wait3A_347, %dma_wait3A_348] : memref<3x512x64xf32, #tpu.memory_space<vmem>> -> memref<1x512x64xf32, #tpu.memory_space<vmem>>
    %dma_wait3A_350 = tpu.memref_squeeze %dma_wait3A_349 : memref<1x512x64xf32, #tpu.memory_space<vmem>> -> memref<512x64xf32, #tpu.memory_space<vmem>>
    %dma_wait3A_351 = arith.constant 0 : i32
    %dma_wait3A_352 = tpu.memref_slice %arg4[%mul3A_345, %dma_wait3A_351] : memref<819200x128xf32, #tpu.memory_space<hbm>> -> memref<512x64xf32, #tpu.memory_space<hbm>>
    %dma_wait3A_353 = arith.constant 0 : i32
    %dma_wait3A_354 = tpu.memref_slice %arg4[%mul3A_345, %dma_wait3A_353] : memref<819200x128xf32, #tpu.memory_space<hbm>> -> memref<512x64xf32, #tpu.memory_space<hbm>>
    %dma_wait3A_355 = arith.constant 0 : i32
    %dma_wait3A_356 = arith.constant 0 : i32
    %dma_wait3A_357 = tpu.memref_slice %arg6[%dma_wait3A_346, %dma_wait3A_355, %dma_wait3A_356] : memref<3x512x64xf32, #tpu.memory_space<vmem>> -> memref<1x512x64xf32, #tpu.memory_space<vmem>>
    %dma_wait3A_358 = tpu.memref_squeeze %dma_wait3A_357 : memref<1x512x64xf32, #tpu.memory_space<vmem>> -> memref<512x64xf32, #tpu.memory_space<vmem>>
    tpu.wait_dma2 semaphore(%arg13 : memref<!tpu.dma_semaphore, #tpu.memory_space<semaphore_mem>>) src(%dma_wait3A_358 : memref<512x64xf32, #tpu.memory_space<vmem>>) dst(%dma_wait3A_354 : memref<512x64xf32, #tpu.memory_space<hbm>>)
    %add3A_359 = arith.constant 196 : i32
    %add3A_360 = arith.addi %mul3A_2, %add3A_359 : i32
    %mul3A_361 = arith.constant 128 : i32
    %mul3A_362 = arith.muli %add3A_360, %mul3A_361 : i32
    %dma_wait3A_363 = arith.constant 1 : i32
    %dma_wait3A_364 = arith.constant 0 : i32
    %dma_wait3A_365 = arith.constant 0 : i32
    %dma_wait3A_366 = tpu.memref_slice %arg6[%dma_wait3A_363, %dma_wait3A_364, %dma_wait3A_365] : memref<3x512x64xf32, #tpu.memory_space<vmem>> -> memref<1x512x64xf32, #tpu.memory_space<vmem>>
    %dma_wait3A_367 = tpu.memref_squeeze %dma_wait3A_366 : memref<1x512x64xf32, #tpu.memory_space<vmem>> -> memref<512x64xf32, #tpu.memory_space<vmem>>
    %dma_wait3A_368 = arith.constant 0 : i32
    %dma_wait3A_369 = tpu.memref_slice %arg4[%mul3A_362, %dma_wait3A_368] : memref<819200x128xf32, #tpu.memory_space<hbm>> -> memref<512x64xf32, #tpu.memory_space<hbm>>
    %dma_wait3A_370 = arith.constant 0 : i32
    %dma_wait3A_371 = tpu.memref_slice %arg4[%mul3A_362, %dma_wait3A_370] : memref<819200x128xf32, #tpu.memory_space<hbm>> -> memref<512x64xf32, #tpu.memory_space<hbm>>
    %dma_wait3A_372 = arith.constant 0 : i32
    %dma_wait3A_373 = arith.constant 0 : i32
    %dma_wait3A_374 = tpu.memref_slice %arg6[%dma_wait3A_363, %dma_wait3A_372, %dma_wait3A_373] : memref<3x512x64xf32, #tpu.memory_space<vmem>> -> memref<1x512x64xf32, #tpu.memory_space<vmem>>
    %dma_wait3A_375 = tpu.memref_squeeze %dma_wait3A_374 : memref<1x512x64xf32, #tpu.memory_space<vmem>> -> memref<512x64xf32, #tpu.memory_space<vmem>>
    tpu.wait_dma2 semaphore(%arg14 : memref<!tpu.dma_semaphore, #tpu.memory_space<semaphore_mem>>) src(%dma_wait3A_375 : memref<512x64xf32, #tpu.memory_space<vmem>>) dst(%dma_wait3A_371 : memref<512x64xf32, #tpu.memory_space<hbm>>)
    return
  }
}

</mosaic_0001>

<sc_bundles>
// kernel: kernel.3.cloned.1.call-start
scs
__scs_entry_jumppad:
0x0: {  	(pc) =	sbr.rel $0x88, $3  }
0x1: {  	(tag) =	ssettag $0x0;
	lr =	simm.s32 $0x1  }
0x2: {  	[smem:$0x3F9F] =	sst lr;
	_ =	strace $0xD0000000  }
0x3: {  	_ = 	snop  }
0x4: {  	_ = 	snop  }
0x5: {  	_ = 	snop  }
0x6: {  	_ = 	snop  }
0x7: {  	_ = 	snop  }
__scs_overlays_trampoline_lowered:
0x8: {  	[smem:$0x3FAE] =	sst s0  }
0x9: {  	[smem:$0x3FAF] =	sst s1  }
0xa: {  	[smem:$0x3FB0] =	sst s2  }
0xb: {  	[smem:$0x3FB1] =	sst s3  }
0xc: {  	[smem:$0x3FB2] =	sst s4  }
0xd: {  	[smem:$0x3FB3] =	sst s5  }
0xe: {  	[smem:$0x3FB4] =	sst s6  }
0xf: {  	[smem:$0x3FB5] =	sst s7  }
0x10: {  	[smem:$0x3FB6] =	sst s8  }
0x11: {  	[smem:$0x3FB7] =	sst s9;
	s0 =	simm.s32 @!p0 $0x0  }
0x12: {  	s1 =	sld [smem:$0x3F9D];
	s0 =	simm.s32 @p0 $0x1  }
0x13: {  	[smem:$0x3FB8] =	sst s0;
	s0 =	simm.s32 @!p1 $0x0  }
0x14: {  	s2 =	sld [smem:$0x3F9C];
	s0 =	simm.s32 @p1 $0x1  }
0x15: {  	[smem:$0x3FB9] =	sst s0;
	s0 =	simm.s32 @!p2 $0x0  }
0x16: {  	s3 =	sld [smem:$0x3FDB];
	s0 =	simm.s32 @p2 $0x1  }
0x17: {  	s4 =	simm.s32 $0x1BF5;
	[smem:$0x3FBB] =	sst s0  }
0x18: {  	s0 =	sld [smem:$0x3F9E];
	_ =	swait.ge [sflag:s4], $0x0  }
0x19: {  	s7 =	sld [smem:$0x3F9F]  }
0x1a: {  	s8 =	sadd.s32 $0xFFFFE003, lr  }
0x1b: {  	s9 =	sadd.s32 $0xFFFFFEF7, lr;
	s5 =	simm.s32 $0xFFFFFFFF;
	p2 =	slt.u32 s8, $0xFFFFF086  }
0x1c: {  	p1 =	slt.u32 s9, $0xF7A;
	s5 =	simm.s32 @!p2 $0x0  }
0x1d: {  	s5 =	simm.s32 @p1 $0x1;
	p0 =	seq.s32 s7, s2  }
0x1e: {  	s7 =	smul.u32 @!p0 $0xF7A, s2;
	p2 =	seq.s32 @!p0 s5, $0x0  }
0x1f: {  	s9 =	smul.u32 $0xF7A, s1;
	s8 =	simm.s32 @!p0 $0x1BF5;
	p2 =	por !p2, p0  }
0x20: {  	[sflag:s8] =	ssyncset.s32 @!p0 $0xFFFFF086;
	s6 =	sadd.s32 @!p0 s3, s7;
	s7 =	simm.s32 @!p0 $0x108  }
0x21: {  	s3 =	sadd.s32 s3, s9;
	s6 =	sadd.s32 @!p0 $0x88, s6;
	s7 =	simm.s32 @p2 $0x1082  }
0x22: {  	[simem:s7], [sflag:s8] =	dma.local @!p0 [hbm:s6], $0xF7A  }
0x23: {  	s9 =	sor.u32 $0xD0000000, s2;
	s6 =	simm.s32 $0x108;
	_ =	swait.ge @!p0 [sflag:s8], $0x0  }
0x24: {  	s3 =	sadd.s32 $0x88, s3;
	s6 =	simm.s32 @!p1 $0x1082;
	[sflag:s4] =	ssyncset.s32 $0xFFFFF086  }
0x25: {  	[simem:s6], [sflag:s4] =	dma.local [hbm:s3], $0xF7A  }
0x26: {  	[smem:$0x3F9F] =	sst s1;
	(tag) =	ssettag s2;
	_ =	strace s9  }
0x27: {  	s1 =	sld [smem:$0x3FAF]  }
0x28: {  	s2 =	sld [smem:$0x3FB0]  }
0x29: {  	s4 =	sld [smem:$0x3FB2]  }
0x2a: {  	p0 =	seq.s32 s5, $0x0;
	s5 =	sld [smem:$0x3FB3]  }
0x2b: {  	s6 =	sld [smem:$0x3FB4]  }
0x2c: {  	s7 =	sld [smem:$0x3FB5]  }
0x2d: {  	s3 =	simm.s32 $0x108;
	s8 =	sld [smem:$0x3FB6]  }
0x2e: {  	s3 =	simm.s32 @!p0 $0x1082;
	s9 =	sld [smem:$0x3FB7]  }
0x2f: {  	lr =	sadd.s32 s0, s3;
	s0 =	sld [smem:$0x3FAE]  }
0x30: {  	s3 =	sld [smem:$0x3FB1]  }
0x31: {  	[smem:$0x3FBA] =	sst s10  }
0x32: {  	s10 =	sld [smem:$0x3FB8];
	_ =	sdelay $0x3  }
0x33: {  	p0 =	seq.s32 s10, $0x1;
	s10 =	sld [smem:$0x3FBA];
	_ =	sdelay $0x3  }
0x34: {  	[smem:$0x3FBA] =	sst s10  }
0x35: {  	s10 =	sld [smem:$0x3FB9];
	_ =	sdelay $0x3  }
0x36: {  	p1 =	seq.s32 s10, $0x1;
	s10 =	sld [smem:$0x3FBA];
	_ =	sdelay $0x3  }
0x37: {  	[smem:$0x3FBA] =	sst s10  }
0x38: {  	s10 =	sld [smem:$0x3FBB]  }
0x39: {  	_ = 	snop;
	(pc) =	sbr.ind lr, $3  }
0x3a: {  	_ = 	snop  }
0x3b: {  	_ = 	snop  }
0x3c: {  	p2 =	seq.s32 s10, $0x1;
	s10 =	sld [smem:$0x3FBA]  }
0x3d: {  	_ =	shalt  }
0x3e: {  	_ =	shalt  }
0x3f: {  	_ =	shalt  }
0x40: {  	_ =	shalt  }
0x41: {  	_ =	shalt  }
0x42: {  	_ =	shalt  }
0x43: {  	_ =	shalt  }
0x44: {  	_ =	shalt  }
0x45: {  	_ =	shalt  }
0x46: {  	_ =	shalt  }
0x47: {  	_ =	shalt  }
0x48: {  	_ =	shalt  }
0x49: {  	_ =	shalt  }
0x4a: {  	_ =	shalt  }
0x4b: {  	_ =	shalt  }
0x4c: {  	_ =	shalt  }
0x4d: {  	_ =	shalt  }
0x4e: {  	_ =	shalt  }
0x4f: {  	_ =	shalt  }
0x50: {  	_ =	shalt  }
0x51: {  	_ =	shalt  }
0x52: {  	_ =	shalt  }
0x53: {  	_ =	shalt  }
0x54: {  	_ =	shalt  }
0x55: {  	_ =	shalt  }
0x56: {  	_ =	shalt  }
0x57: {  	_ =	shalt  }
0x58: {  	_ =	shalt  }
0x59: {  	_ =	shalt  }
0x5a: {  	_ =	shalt  }
0x5b: {  	_ =	shalt  }
0x5c: {  	_ =	shalt  }
0x5d: {  	_ =	shalt  }
0x5e: {  	_ =	shalt  }
0x5f: {  	_ =	shalt  }
0x60: {  	_ =	shalt  }
0x61: {  	_ =	shalt  }
0x62: {  	_ =	shalt  }
0x63: {  	_ =	shalt  }
0x64: {  	_ =	shalt  }
0x65: {  	_ =	shalt  }
0x66: {  	_ =	shalt  }
0x67: {  	_ =	shalt  }
0x68: {  	_ =	shalt  }
0x69: {  	_ =	shalt  }
0x6a: {  	_ =	shalt  }
0x6b: {  	_ =	shalt  }
0x6c: {  	_ =	shalt  }
0x6d: {  	_ =	shalt  }
0x6e: {  	_ =	shalt  }
0x6f: {  	_ =	shalt  }
0x70: {  	_ =	shalt  }
0x71: {  	_ =	shalt  }
0x72: {  	_ =	shalt  }
0x73: {  	_ =	shalt  }
0x74: {  	_ =	shalt  }
0x75: {  	_ =	shalt  }
0x76: {  	_ =	shalt  }
0x77: {  	_ =	shalt  }
0x78: {  	_ =	shalt  }
0x79: {  	_ =	shalt  }
0x7a: {  	_ =	shalt  }
0x7b: {  	_ =	shalt  }
0x7c: {  	_ =	shalt  }
0x7d: {  	_ =	shalt  }
0x7e: {  	_ =	shalt  }
0x7f: {  	_ =	shalt  }
0x80: {  	_ =	shalt  }
0x81: {  	_ =	shalt  }
0x82: {  	_ =	shalt  }
0x83: {  	_ =	shalt  }
0x84: {  	_ =	shalt  }
0x85: {  	_ =	shalt  }
0x86: {  	_ =	shalt  }
0x87: {  	_ =	shalt  }
.Lfunc_end0:
.L_simem_size_0:
called_computation.1_lowered:
.L_overlay_start_0:
0x88: {  	s2 =	sld [smem:$0x3FD9]  }
0x89: {  	s3 =	sld [smem:$0x3FFE];
	_ =	sdelay $0x1  }
0x8a: {  	s1 =	srdreg.scid  }
0x8b: {  	s0 =	sand.u32 $0x1, s1  }
0x8c: {  	s17 =	sshll.u32 s0, $0xA;
	s2 =	sadd.s32 s3, s2  }
0x8d: {  	s2 =	sadd.s32 s2, s17  }
0x8e: {  	[smem:$0x3FC6] =	sst s2  }
0x8f: {  	_ = 	snop  }
0x90: {  	s2 =	sld [smem:$0x3FD0];
	(tm) =	ssettm $0x1  }
0x91: {  	s18 =	sld [smem:$0x3FFB];
	_ =	sdelay $0x3  }
0x92: {  	_ =	strace s18  }
0x93: {  	s3 =	sld [smem:$0x3FFC];
	_ =	sdelay $0x3  }
0x94: {  	_ =	strace s3  }
0x95: {  	s3 =	sld [smem:$0x3FFD];
	_ =	sdelay $0x3  }
0x96: {  	_ =	strace s3  }
0x97: {  	_ =	strace $0x8FFFFFFF  }
0x98: {  	s19 =	sld [smem:$0x3FDB];
	_ =	sdelay $0x1  }
0x99: {  	s4 =	simm.s32 $_scs_section_size  }
0x9a: {  	s5 =	simm.s32 $_size__tile_overlayer_lowered;
	s6 =	simm.s32 $_tile_overlayer_lowered  }
0x9b: {  	s22 =	simm.s32 $0x1BFF;
	s21 =	sshll.u32 s6, $0x1;
	s3 =	sadd.s32 s4, s19  }
0x9c: {  	s7 =	simm.s32 $0x0;
	s20 =	sshll.u32 s5, $0x1;
	s5 =	sadd.s32 s21, s3  }
0x9d: {  	[timem:s7], [sflag:s22] =	dma.local [hbm:s5], s20  }
0x9e: {  	_ =	swait.ge [sflag:s22], s20  }
0x9f: {  	s4 =	ssub.s32 $0x0, s20;
	[sflag:s22] =	ssyncset.done $0x0  }
0xa0: {  	[sflag:s22] =	ssyncadd.s32 s4;
	_ =	sdelay $0x1  }
0xa1: {  	s23 =	simm.s32 $0x1B8B  }
0xa2: {  	_ =	swait.ge [sflag:s23], $0x1  }
0xa3: {  	[sflag:s23] =	ssyncset.done $0x0  }
0xa4: {  	s25 =	simm.s32 $0x1B8E;
	s24 =	sld [smem:$0x3FFE];
	[sflag:s23] =	ssyncadd.s32 $0xFFFFFFFF  }
0xa5: {  	s26 =	simm.s32 $execute0_lowered;
	[smem:$0x3FD2] =	sst s25  }
0xa6: {  	s5 =	sshll.u32 s26, $0x1;
	_ =	strace $0x80000046;
	[dreg:$0x1] =	wrdreg $0xFFFFFFFF  }
0xa7: {  	s28 =	simm.s32 $_size_execute0_lowered;
	s3 =	sadd.s32 s3, s5;
	[dreg:$0x0] =	wrdreg $0x0  }
0xa8: {  	s5 =	sshll.u32 s28, $0x1;
	[dreg:$0x2] =	wrdreg s3  }
0xa9: {  	[dreg:$0x3] =	wrdreg s5  }
0xaa: {  	[dreg:$0x4] =	wrdreg $0xC0  }
0xab: {  	_ =	task [dreg:s7], $0x5FFFF  }
0xac: {  	[dreg:$0x1] =	wrdreg $0xFFFFFFFF  }
0xad: {  	[dreg:$0x0] =	wrdreg $0x60  }
0xae: {  	[dreg:$0x2] =	wrdreg s2  }
0xaf: {  	[dreg:$0x3] =	wrdreg s24  }
0xb0: {  	[dreg:$0x4] =	wrdreg $0x9  }
0xb1: {  	_ =	task.clear_ibuf [dreg:s7], $0x5FFFF;
	_ =	strace $0x90000046  }
0xb2: {  	s29 =	simm.s32 $0x9;
	_ =	strace $0x80000048  }
0xb3: {  	_ =	swait.ge [sflag:s29], $0x1  }
0xb4: {  	[sflag:s29] =	ssyncadd.s32 $0xFFFFFFFF  }
0xb5: {  	_ =	strace $0x90000048  }
0xb6: {  	_ =	sfence  }
0xb7: {  	s30 =	sld [smem:$0x0];
	_ =	sdelay $0x2  }
0xb8: {  	s31 =	sshll.u32 s1, $0xD;
	s1 =	sshrl.u32 s1, $0x2  }
0xb9: {  	s3 =	sand.u32 $0x4000, s31;
	s1 =	sadd.s32 s1, s30  }
0xba: {  	s0 =	sor.u32 s3, s0;
	s1 =	sshll.u32 s1, $0x11  }
0xbb: {  	s0 =	sor.u32 s1, s0  }
0xbc: {  	s0 =	sadd.s32 $0x8F2B, s0  }
0xbd: {  	[sflag:s0] =	ssyncadd.remote.s32 $0x1  }
0xbe: {  	_ =	sfence.sel $0xFFFF  }
0xbf: {  	[dreg:$0x0] =	wrdreg $0xFFFFFFFF;
	(pc) =	sbr.abs _section_cstart, $3  }
0xc0: {  	[dreg:$0x1] =	wrdreg $0xFFFFFFFF  }
0xc1: {  	_ =	task.clear_ibuf [dreg:s7], $0x2FFFF;
	_ =	strace $0x9FFFFFFF  }
0xc2: {  	(tm) =	ssettm $0x7FFFFFFF  }
0xc3: {  	_ =	shalt  }
tec
execute0_lowered:
.L_overlay_start_1:
0x0: {  	(tag) =	ssettag $0x1  }
0x1: {  	s0 =	srdreg.scid;
	s18 =	rddreg [dreg:$0x0]  }
0x2: {  	s11 =	stileid.u32;
	s2 =	rddreg [dreg:$0x1];
	s3 =	simm.s32 $0x0  }
0x3: {  	s13 =	simm.s32 $0x1;
	s14 =	simm.s32 $0x80;
	s7 =	smul.u32 $0x190, s11  }
0x4: {  	s15 =	simm.s32 $0x600;
	s16 =	simm.s32 $0x580;
	s17 =	smul.u32 $0xC8000, s11  }
0x5: {  	s29 =	simm.s32 $0x380;
	s30 =	simm.s32 $0xE600;
	s20 =	smul.u32 $0xC800, s11  }
0x6: {  	s31 =	simm.s32 $0x400;
	s0 =	sand.u32 $0x1, s0;
	s23 =	smul.u32 $0x640000, s11  }
0x7: {  	s28 =	simm.s32 $0x6600;
	s1 =	sshll.u32 s11, $0x1;
	s9 =	smul.u32 $0xC8, s0  }
0x8: {  	[smem:$0x7FF] =	sst s3;
	s4 =	sadd.s32 $0xF42E00, s2;
	s19 =	smul.u32 $0x64000, s0  }
0x9: {  	s2 =	sadd.s32 $0xA00, s2;
	s11 =	simm.s32 $0x500;
	s21 =	smul.u32 $0x6400, s0  }
0xa: {  	s1 =	sor.u32 s0, s1;
	s6 =	ssub.s32 $0x2, s0;
	s0 =	smul.u32 $0x320000, s0  }
0xb: {  	_ =	strace $0x80000047;
	[dreg:$0x8] =	wrdreg s11;
	s5 =	smul.u32 $0xC80, s1  }
0xc: {  	[dreg:$0xa] =	wrdreg s16;
	s1 =	smul.u32 $0x320000, s1;
	s8 =	sshrl.u32 s6, $0x1  }
0xd: {  	s24 =	sadd.s32 s17, s2;
	s17 =	simm.s32 $0x180;
	s6 =	ssub.s32 s6, s8  }
0xe: {  	s7 =	sadd.s32 s9, s7;
	s25 =	sadd.s32 s21, s20;
	s0 =	sadd.s32 s0, s23  }
0xf: {  	s20 =	simm.s32 $0x2600;
	s9 =	simm.s32 $0x480;
	s21 =	simm.s32 $0x200  }
0x10: {  	s23 =	simm.s32 $0x8600;
	s10 =	sadd.s32 s18, s5;
	s1 =	sshrl.u32 s1, $0x3  }
0x11: {  	s22 =	sshll.u32 s7, $0x4;
	s6 =	smax.u32 s6, $0x1;
	s26 =	sadd.s32 $0x400, s25  }
0x12: {  	s0 =	sor.u32 $0x10000, s0;
	[dreg:$0x6] =	wrdreg s9;
	s9 =	simm.s32 $0x7  }
0x13: {  	[dreg:$0xc] =	wrdreg s10;
	s10 =	sadd.s32 $0x40, s10;
	s1 =	sadd.s32 s2, s1  }
0x14: {  	[dreg:$0x10] =	wrdreg s6;
	s7 =	sshll.u32 s26, $0x4;
	s6 =	sadd.s32 $0x600, s25  }
0x15: {  	s0 =	sshrl.u32 s0, $0x3;
	s5 =	sshrl.u32 s26, $0x3;
	[dreg:$0xd] =	wrdreg s10  }
0x16: {  	s25 =	simm.s32 $0x4600;
	s12 =	sadd.s32 $0x60000, s1;
	[dreg:$0x12] =	wrdreg s6  }
0x17: {  	s26 =	simm.s32 $0x6600;
	s1 =	sadd.s32 $0x62000, s1;
	[dreg:$0xe] =	wrdreg s12  }
0x18: {  	s0 =	sadd.s32 s0, s2;
	s8 =	sadd.s32 s5, s18;
	[dreg:$0xf] =	wrdreg s1  }
0x19: {  	s10 =	simm.s32 $0x12600;
	s6 =	simm.s32 $0x3;
	[dreg:$0x13] =	wrdreg s8  }
0x1a: {  	s5 =	simm.s32 $0x6;
	s1 =	sadd.s32 s18, s22;
	[dreg:$0x5] =	wrdreg s0  }
0x1b: {  	[dreg:$0x7] =	wrdreg s10;
	s12 =	simm.s32 $0x14600;
	s22 =	simm.s32 $0x2  }
0x1c: {  	s0 =	simm.s32 $0x40;
	s1 =	sadd.s32 $0x100, s1;
	[dreg:$0x9] =	wrdreg s12  }
0x1d: {  	s8 =	simm.s32 $0x5;
	[dreg:$0x11] =	wrdreg s1;
	s1 =	sadd.s32 s19, s24  }
0x1e: {  	s10 =	simm.s32 $0x0;
	s19 =	simm.s32 $0x16600;
	[dreg:$0x3] =	wrdreg s1  }
0x1f: {  	s24 =	simm.s32 $0x100;
	s1 =	sadd.s32 s7, s2;
	[dreg:$0xb] =	wrdreg s19  }
0x20: {  	s7 =	simm.s32 $0x10600;
	[dreg:$0x4] =	wrdreg s1;
	s1 =	simm.s32 $0x4  }
.LBB2_1:
0x21: {  	[dreg:$0x14] =	wrdreg s10  }
0x22: {  	s2 =	rddreg [dreg:$0xc]  }
0x23: {  	[tilespmem:s3], [sflag:$0x1] =	stream.linear.gather [hbm4b:s2+s3], $0x200, $0x38;
	[tilespmem:$0x18600] =	vst v63  }
0x24: {  	_ =	swait.ge [sflag:s13], $0x200  }
0x25: {  	[sflag:s13] =	ssyncset.done $0x0  }
0x26: {  	[sflag:s13] =	ssyncadd.s32 $0xFFFFFE00  }
0x27: {  	[tilespmem:s15], [sflag:$0x4] =	stream.indirect.gather [hbm4b:s4+s14], $0x40, s3, s14, $0xb8;
	[tilespmem:$0x18600] =	vst v63  }
0x28: {  	_ = 	snop  }
0x29: {  	[tilespmem:s20], [sflag:$0x4] =	stream.indirect.gather [hbm4b:s4+s14], $0x40, s14, s14, $0xb8;
	[tilespmem:$0x18600] =	vst v63  }
0x2a: {  	_ = 	snop  }
0x2b: {  	[tilespmem:s25], [sflag:$0x4] =	stream.indirect.gather [hbm4b:s4+s14], $0x40, s24, s14, $0xb8;
	[tilespmem:$0x18600] =	vst v63  }
0x2c: {  	_ = 	snop  }
0x2d: {  	[tilespmem:s26], [sflag:$0x4] =	stream.indirect.gather [hbm4b:s4+s14], $0x40, s17, s14, $0xb8;
	[tilespmem:$0x18600] =	vst v63  }
0x2e: {  	s10 =	rddreg [dreg:$0xd]  }
0x2f: {  	[tilespmem:s21], [sflag:$0x2] =	stream.linear.gather [hbm4b:s10+s3], $0x200, $0x38;
	[tilespmem:$0x18600] =	vst v63  }
0x30: {  	_ =	swait.ge [sflag:s22], $0x200  }
0x31: {  	p0 =	por $0x1, $0x1;
	[sflag:s22] =	ssyncset.done $0x0  }
0x32: {  	s2 =	simm.s32 @!p0 $0x8;
	[sflag:s22] =	ssyncadd.s32 $0xFFFFFE00  }
0x33: {  	_ =	swait.ge @!p0 [sflag:s2], $0x8000  }
0x34: {  	[sflag:s2] =	ssyncset.done @!p0 $0x0  }
0x35: {  	[sflag:s2] =	ssyncadd.s32 @!p0 $0xFFFF8000  }
0x36: {  	[tilespmem:s23], [sflag:$0x5] =	stream.indirect.gather [hbm4b:s4+s14], $0x40, s21, s14, $0xb8;
	[tilespmem:$0x18600] =	vst v63  }
0x37: {  	s11 =	simm.s32 $0x280;
	s12 =	simm.s32 $0xA600  }
0x38: {  	[tilespmem:s12], [sflag:$0x5] =	stream.indirect.gather [hbm4b:s4+s14], $0x40, s11, s14, $0xb8;
	[tilespmem:$0x18600] =	vst v63  }
0x39: {  	s16 =	simm.s32 $0x300;
	s19 =	simm.s32 $0xC600  }
0x3a: {  	[tilespmem:s19], [sflag:$0x5] =	stream.indirect.gather [hbm4b:s4+s14], $0x40, s16, s14, $0xb8;
	[tilespmem:$0x18600] =	vst v63  }
0x3b: {  	_ = 	snop  }
0x3c: {  	[tilespmem:s30], [sflag:$0x5] =	stream.indirect.gather [hbm4b:s4+s14], $0x40, s29, s14, $0xb8;
	[tilespmem:$0x18600] =	vst v63  }
0x3d: {  	s19 =	rddreg [dreg:$0x13]  }
0x3e: {  	[tilespmem:s31], [sflag:$0x3] =	stream.linear.gather [hbm4b:s19+s3], $0x200, $0x38;
	[tilespmem:$0x18600] =	vst v63  }
0x3f: {  	_ =	swait.ge [sflag:s1], $0x2000  }
0x40: {  	[sflag:s1] =	ssyncset.done $0x0  }
0x41: {  	[sflag:s1] =	ssyncadd.s32 $0xFFFFE000  }
0x42: {  	_ =	swait.ge [sflag:s1], $0x2000  }
0x43: {  	[sflag:s1] =	ssyncset.done $0x0  }
0x44: {  	[sflag:s1] =	ssyncadd.s32 $0xFFFFE000  }
0x45: {  	_ =	swait.ge [sflag:s1], $0x2000  }
0x46: {  	[sflag:s1] =	ssyncset.done $0x0  }
0x47: {  	[sflag:s1] =	ssyncadd.s32 $0xFFFFE000  }
0x48: {  	_ =	swait.ge [sflag:s1], $0x2000  }
0x49: {  	s11 =	rddreg [dreg:$0x3];
	[sflag:s1] =	ssyncset.done $0x0  }
0x4a: {  	[sflag:s1] =	ssyncadd.s32 $0xFFFFE000;
	s2 =	sadd.s32 $0x0, s11  }
0x4b: {  	[hbm4b:s2+s0] =	stream.strided.scatter [tilespmem:s15], [sflag:$0x7], $0x8000, s14, s0, $0x38;
	[tilespmem:$0x18600] =	vst v63  }
0x4c: {  	_ =	swait.ge [sflag:s6], $0x200  }
0x4d: {  	[sflag:s6] =	ssyncset.done $0x0  }
0x4e: {  	s2 =	simm.s32 @!p0 $0x9;
	[sflag:s6] =	ssyncadd.s32 $0xFFFFFE00  }
0x4f: {  	_ =	swait.ge @!p0 [sflag:s2], $0x8000  }
0x50: {  	s10 =	rddreg [dreg:$0xa]  }
0x51: {  	s11 =	rddreg [dreg:$0x8];
	[sflag:s2] =	ssyncset.done @!p0 $0x0  }
0x52: {  	s12 =	rddreg [dreg:$0x6];
	[sflag:s2] =	ssyncadd.s32 @!p0 $0xFFFF8000  }
0x53: {  	[tilespmem:s7], [sflag:$0x6] =	stream.indirect.gather [hbm4b:s4+s14], $0x40, s31, s14, $0xb8;
	[tilespmem:$0x18600] =	vst v63  }
0x54: {  	s2 =	rddreg [dreg:$0x7]  }
0x55: {  	[tilespmem:s2], [sflag:$0x6] =	stream.indirect.gather [hbm4b:s4+s14], $0x40, s12, s14, $0xb8;
	[tilespmem:$0x18600] =	vst v63  }
0x56: {  	s16 =	rddreg [dreg:$0x9]  }
0x57: {  	[tilespmem:s16], [sflag:$0x6] =	stream.indirect.gather [hbm4b:s4+s14], $0x40, s11, s14, $0xb8;
	[tilespmem:$0x18600] =	vst v63  }
0x58: {  	s16 =	rddreg [dreg:$0x12]  }
0x59: {  	s2 =	rddreg [dreg:$0xb];
	s12 =	sshrl.u32 s16, $0x3  }
0x5a: {  	[tilespmem:s2], [sflag:$0x6] =	stream.indirect.gather [hbm4b:s4+s14], $0x40, s10, s14, $0xb8;
	[tilespmem:$0x18600] =	vst v63  }
0x5b: {  	s11 =	sadd.s32 s18, s12  }
0x5c: {  	[tilespmem:s3], [sflag:$0x1] =	stream.linear.gather [hbm4b:s11+s3], $0x200, $0x38;
	[tilespmem:$0x18600] =	vst v63  }
0x5d: {  	_ =	swait.ge [sflag:s8], $0x2000  }
0x5e: {  	[sflag:s8] =	ssyncset.done $0x0  }
0x5f: {  	[sflag:s8] =	ssyncadd.s32 $0xFFFFE000  }
0x60: {  	_ =	swait.ge [sflag:s8], $0x2000  }
0x61: {  	[sflag:s8] =	ssyncset.done $0x0  }
0x62: {  	[sflag:s8] =	ssyncadd.s32 $0xFFFFE000  }
0x63: {  	_ =	swait.ge [sflag:s8], $0x2000  }
0x64: {  	[sflag:s8] =	ssyncset.done $0x0  }
0x65: {  	[sflag:s8] =	ssyncadd.s32 $0xFFFFE000  }
0x66: {  	_ =	swait.ge [sflag:s8], $0x2000  }
0x67: {  	s12 =	rddreg [dreg:$0x5];
	[sflag:s8] =	ssyncset.done $0x0  }
0x68: {  	[sflag:s8] =	ssyncadd.s32 $0xFFFFE000;
	s2 =	sadd.s32 $0x0, s12  }
0x69: {  	[hbm4b:s2+s0] =	stream.strided.scatter [tilespmem:s23], [sflag:$0x8], $0x8000, s14, s0, $0x38;
	[tilespmem:$0x18600] =	vst v63  }
0x6a: {  	_ =	swait.ge [sflag:s13], $0x200  }
0x6b: {  	[sflag:s13] =	ssyncset.done $0x0  }
0x6c: {  	[sflag:s13] =	ssyncadd.s32 $0xFFFFFE00  }
0x6d: {  	_ =	swait.ge [sflag:s9], $0x8000  }
0x6e: {  	[sflag:s9] =	ssyncset.done $0x0  }
0x6f: {  	[sflag:s9] =	ssyncadd.s32 $0xFFFF8000  }
0x70: {  	[tilespmem:s15], [sflag:$0x4] =	stream.indirect.gather [hbm4b:s4+s14], $0x40, s3, s14, $0xb8;
	[tilespmem:$0x18600] =	vst v63  }
0x71: {  	_ = 	snop  }
0x72: {  	[tilespmem:s20], [sflag:$0x4] =	stream.indirect.gather [hbm4b:s4+s14], $0x40, s14, s14, $0xb8;
	[tilespmem:$0x18600] =	vst v63  }
0x73: {  	_ = 	snop  }
0x74: {  	[tilespmem:s25], [sflag:$0x4] =	stream.indirect.gather [hbm4b:s4+s14], $0x40, s24, s14, $0xb8;
	[tilespmem:$0x18600] =	vst v63  }
0x75: {  	_ = 	snop  }
0x76: {  	[tilespmem:s26], [sflag:$0x4] =	stream.indirect.gather [hbm4b:s4+s14], $0x40, s17, s14, $0xb8;
	[tilespmem:$0x18600] =	vst v63  }
0x77: {  	s11 =	rddreg [dreg:$0x11]  }
0x78: {  	[tilespmem:s21], [sflag:$0x2] =	stream.linear.gather [hbm4b:s11+s3], $0x200, $0x38;
	[tilespmem:$0x18600] =	vst v63  }
0x79: {  	_ =	swait.ge [sflag:s5], $0x2000  }
0x7a: {  	[sflag:s5] =	ssyncset.done $0x0  }
0x7b: {  	[sflag:s5] =	ssyncadd.s32 $0xFFFFE000  }
0x7c: {  	_ =	swait.ge [sflag:s5], $0x2000  }
0x7d: {  	[sflag:s5] =	ssyncset.done $0x0  }
0x7e: {  	[sflag:s5] =	ssyncadd.s32 $0xFFFFE000  }
0x7f: {  	_ =	swait.ge [sflag:s5], $0x2000  }
0x80: {  	[sflag:s5] =	ssyncset.done $0x0  }
0x81: {  	[sflag:s5] =	ssyncadd.s32 $0xFFFFE000  }
0x82: {  	s10 =	sadd.s32 $0xC0, s19;
	s12 =	simm.s32 $0x6000;
	_ =	swait.ge [sflag:s5], $0x2000  }
0x83: {  	s2 =	smov.u32 s16;
	s16 =	simm.s32 $0x0;
	[sflag:s5] =	ssyncset.done $0x0  }
0x84: {  	s26 =	simm.s32 $0x180;
	s17 =	rddreg [dreg:$0x4];
	[sflag:s5] =	ssyncadd.s32 $0xFFFFE000  }
.LBB2_2:
0x85: {  	s24 =	smov.u32 s12;
	s17 =	sadd.s32 s16, s17  }
0x86: {  	[hbm4b:s17+s0] =	stream.strided.scatter [tilespmem:s7], [sflag:$0x9], $0x8000, s14, s0, $0x38;
	[tilespmem:$0x18600] =	vst v63  }
0x87: {  	s16 =	smov.u32 s24;
	_ =	swait.ge [sflag:s22], $0x200  }
0x88: {  	p1 =	seq.s32 s16, $0x0;
	[sflag:s22] =	ssyncset.done $0x0  }
0x89: {  	s17 =	simm.s32 @!p1 $0x8;
	[sflag:s22] =	ssyncadd.s32 $0xFFFFFE00  }
0x8a: {  	_ =	swait.ge @!p1 [sflag:s17], $0x8000  }
0x8b: {  	[sflag:s17] =	ssyncset.done @!p1 $0x0  }
0x8c: {  	[sflag:s17] =	ssyncadd.s32 @!p1 $0xFFFF8000  }
0x8d: {  	[tilespmem:s23], [sflag:$0x5] =	stream.indirect.gather [hbm4b:s4+s14], $0x40, s21, s14, $0xb8;
	[tilespmem:$0x18600] =	vst v63  }
0x8e: {  	s25 =	smov.u32 s18;
	s18 =	simm.s32 $0x280;
	s19 =	simm.s32 $0xA600  }
0x8f: {  	[tilespmem:s19], [sflag:$0x5] =	stream.indirect.gather [hbm4b:s4+s14], $0x40, s18, s14, $0xb8;
	[tilespmem:$0x18600] =	vst v63  }
0x90: {  	s20 =	simm.s32 $0x300;
	s24 =	simm.s32 $0xC600  }
0x91: {  	[tilespmem:s24], [sflag:$0x5] =	stream.indirect.gather [hbm4b:s4+s14], $0x40, s20, s14, $0xb8;
	[tilespmem:$0x18600] =	vst v63  }
0x92: {  	_ = 	snop  }
0x93: {  	[tilespmem:s30], [sflag:$0x5] =	stream.indirect.gather [hbm4b:s4+s14], $0x40, s29, s14, $0xb8;
	[tilespmem:$0x18600] =	vst v63  }
0x94: {  	_ = 	snop  }
0x95: {  	[tilespmem:s31], [sflag:$0x3] =	stream.linear.gather [hbm4b:s10+s3], $0x200, $0x38;
	[tilespmem:$0x18600] =	vst v63  }
0x96: {  	_ =	swait.ge [sflag:s1], $0x2000  }
0x97: {  	[sflag:s1] =	ssyncset.done $0x0  }
0x98: {  	[sflag:s1] =	ssyncadd.s32 $0xFFFFE000  }
0x99: {  	_ =	swait.ge [sflag:s1], $0x2000  }
0x9a: {  	[sflag:s1] =	ssyncset.done $0x0  }
0x9b: {  	[sflag:s1] =	ssyncadd.s32 $0xFFFFE000  }
0x9c: {  	_ =	swait.ge [sflag:s1], $0x2000  }
0x9d: {  	[sflag:s1] =	ssyncset.done $0x0  }
0x9e: {  	[sflag:s1] =	ssyncadd.s32 $0xFFFFE000  }
0x9f: {  	_ =	swait.ge [sflag:s1], $0x2000  }
0xa0: {  	s18 =	rddreg [dreg:$0x3];
	[sflag:s1] =	ssyncset.done $0x0  }
0xa1: {  	[sflag:s1] =	ssyncadd.s32 $0xFFFFE000;
	s17 =	sadd.s32 s16, s18  }
0xa2: {  	[hbm4b:s17+s0] =	stream.strided.scatter [tilespmem:s15], [sflag:$0x7], $0x8000, s14, s0, $0x38;
	[tilespmem:$0x18600] =	vst v63  }
0xa3: {  	_ =	swait.ge [sflag:s6], $0x200  }
0xa4: {  	[sflag:s6] =	ssyncset.done $0x0  }
0xa5: {  	s17 =	simm.s32 @!p1 $0x9;
	[sflag:s6] =	ssyncadd.s32 $0xFFFFFE00  }
0xa6: {  	_ =	swait.ge @!p1 [sflag:s17], $0x8000  }
0xa7: {  	s18 =	rddreg [dreg:$0xa]  }
0xa8: {  	[sflag:s17] =	ssyncset.done @!p1 $0x0;
	s19 =	rddreg [dreg:$0x6]  }
0xa9: {  	s20 =	rddreg [dreg:$0x7];
	[sflag:s17] =	ssyncadd.s32 @!p1 $0xFFFF8000  }
0xaa: {  	[tilespmem:s7], [sflag:$0x6] =	stream.indirect.gather [hbm4b:s4+s14], $0x40, s31, s14, $0xb8;
	[tilespmem:$0x18600] =	vst v63  }
0xab: {  	s24 =	rddreg [dreg:$0x9]  }
0xac: {  	[tilespmem:s20], [sflag:$0x6] =	stream.indirect.gather [hbm4b:s4+s14], $0x40, s19, s14, $0xb8;
	[tilespmem:$0x18600] =	vst v63  }
0xad: {  	s17 =	rddreg [dreg:$0x8]  }
0xae: {  	[tilespmem:s24], [sflag:$0x6] =	stream.indirect.gather [hbm4b:s4+s14], $0x40, s17, s14, $0xb8;
	[tilespmem:$0x18600] =	vst v63  }
0xaf: {  	s2 =	sadd.s32 $0x600, s2;
	s19 =	rddreg [dreg:$0xb]  }
0xb0: {  	[tilespmem:s19], [sflag:$0x6] =	stream.indirect.gather [hbm4b:s4+s14], $0x40, s18, s14, $0xb8;
	[tilespmem:$0x18600] =	vst v63  }
0xb1: {  	s17 =	sshrl.u32 s2, $0x3;
	s18 =	smov.u32 s25  }
0xb2: {  	s17 =	sadd.s32 s18, s17  }
0xb3: {  	[tilespmem:s3], [sflag:$0x1] =	stream.linear.gather [hbm4b:s17+s3], $0x200, $0x38;
	[tilespmem:$0x18600] =	vst v63  }
0xb4: {  	_ =	swait.ge [sflag:s8], $0x2000  }
0xb5: {  	[sflag:s8] =	ssyncset.done $0x0  }
0xb6: {  	[sflag:s8] =	ssyncadd.s32 $0xFFFFE000  }
0xb7: {  	_ =	swait.ge [sflag:s8], $0x2000  }
0xb8: {  	[sflag:s8] =	ssyncset.done $0x0  }
0xb9: {  	[sflag:s8] =	ssyncadd.s32 $0xFFFFE000  }
0xba: {  	_ =	swait.ge [sflag:s8], $0x2000  }
0xbb: {  	[sflag:s8] =	ssyncset.done $0x0  }
0xbc: {  	[sflag:s8] =	ssyncadd.s32 $0xFFFFE000  }
0xbd: {  	_ =	swait.ge [sflag:s8], $0x2000  }
0xbe: {  	s19 =	rddreg [dreg:$0x5];
	[sflag:s8] =	ssyncset.done $0x0  }
0xbf: {  	[sflag:s8] =	ssyncadd.s32 $0xFFFFE000;
	s17 =	sadd.s32 s16, s19  }
0xc0: {  	[hbm4b:s17+s0] =	stream.strided.scatter [tilespmem:s23], [sflag:$0x8], $0x8000, s14, s0, $0x38;
	[tilespmem:$0x18600] =	vst v63  }
0xc1: {  	_ =	swait.ge [sflag:s13], $0x200  }
0xc2: {  	[sflag:s13] =	ssyncset.done $0x0  }
0xc3: {  	[sflag:s13] =	ssyncadd.s32 $0xFFFFFE00  }
0xc4: {  	_ =	swait.ge [sflag:s9], $0x8000  }
0xc5: {  	[sflag:s9] =	ssyncset.done $0x0  }
0xc6: {  	[sflag:s9] =	ssyncadd.s32 $0xFFFF8000  }
0xc7: {  	[tilespmem:s15], [sflag:$0x4] =	stream.indirect.gather [hbm4b:s4+s14], $0x40, s3, s14, $0xb8;
	[tilespmem:$0x18600] =	vst v63  }
0xc8: {  	s20 =	simm.s32 $0x2600  }
0xc9: {  	[tilespmem:s20], [sflag:$0x4] =	stream.indirect.gather [hbm4b:s4+s14], $0x40, s14, s14, $0xb8;
	[tilespmem:$0x18600] =	vst v63  }
0xca: {  	s24 =	simm.s32 $0x100;
	s25 =	simm.s32 $0x4600  }
0xcb: {  	[tilespmem:s25], [sflag:$0x4] =	stream.indirect.gather [hbm4b:s4+s14], $0x40, s24, s14, $0xb8;
	[tilespmem:$0x18600] =	vst v63  }
0xcc: {  	_ = 	snop  }
0xcd: {  	[tilespmem:s28], [sflag:$0x4] =	stream.indirect.gather [hbm4b:s4+s14], $0x40, s26, s14, $0xb8;
	[tilespmem:$0x18600] =	vst v63  }
0xce: {  	s11 =	sadd.s32 $0xC0, s11  }
0xcf: {  	[tilespmem:s21], [sflag:$0x2] =	stream.linear.gather [hbm4b:s11+s3], $0x200, $0x38;
	[tilespmem:$0x18600] =	vst v63  }
0xd0: {  	_ =	swait.ge [sflag:s5], $0x2000  }
0xd1: {  	[sflag:s5] =	ssyncset.done $0x0  }
0xd2: {  	[sflag:s5] =	ssyncadd.s32 $0xFFFFE000  }
0xd3: {  	_ =	swait.ge [sflag:s5], $0x2000  }
0xd4: {  	[sflag:s5] =	ssyncset.done $0x0  }
0xd5: {  	s12 =	sadd.s32 $0x6000, s12;
	[sflag:s5] =	ssyncadd.s32 $0xFFFFE000  }
0xd6: {  	p0 =	sne.s32 s12, $0x60000;
	_ =	swait.ge [sflag:s5], $0x2000  }
.Ltmp0:
0xd7: {  	[sflag:s5] =	ssyncset.done $0x0;
	(pc) =	sbr.rel @p0 .LBB2_2-.Ltmp0, $4  }
0xd8: {  	[sflag:s5] =	ssyncadd.s32 $0xFFFFE000  }
0xd9: {  	_ =	swait.ge [sflag:s5], $0x2000  }
0xda: {  	[sflag:s5] =	ssyncset.done $0x0  }
0xdb: {  	s10 =	sadd.s32 $0xC0, s10;
	s17 =	rddreg [dreg:$0x4];
	[sflag:s5] =	ssyncadd.s32 $0xFFFFE000  }
0xdc: {  	s2 =	sadd.s32 s16, s17  }
0xdd: {  	[hbm4b:s2+s0] =	stream.strided.scatter [tilespmem:s7], [sflag:$0x9], $0x8000, s14, s0, $0x38;
	[tilespmem:$0x18600] =	vst v63  }
0xde: {  	_ =	swait.ge [sflag:s22], $0x200  }
0xdf: {  	[sflag:s22] =	ssyncset.done $0x0  }
0xe0: {  	s11 =	simm.s32 $0x8;
	[sflag:s22] =	ssyncadd.s32 $0xFFFFFE00  }
0xe1: {  	_ =	swait.ge [sflag:s11], $0x8000  }
0xe2: {  	[sflag:s11] =	ssyncset.done $0x0  }
0xe3: {  	[sflag:s11] =	ssyncadd.s32 $0xFFFF8000  }
0xe4: {  	[tilespmem:s23], [sflag:$0x5] =	stream.indirect.gather [hbm4b:s4+s14], $0x40, s21, s14, $0xb8;
	[tilespmem:$0x18600] =	vst v63  }
0xe5: {  	s17 =	simm.s32 $0x280;
	s10 =	simm.s32 $0xA600  }
0xe6: {  	[tilespmem:s10], [sflag:$0x5] =	stream.indirect.gather [hbm4b:s4+s14], $0x40, s17, s14, $0xb8;
	[tilespmem:$0x18600] =	vst v63  }
0xe7: {  	s19 =	simm.s32 $0x300;
	s26 =	simm.s32 $0xC600  }
0xe8: {  	[tilespmem:s26], [sflag:$0x5] =	stream.indirect.gather [hbm4b:s4+s14], $0x40, s19, s14, $0xb8;
	[tilespmem:$0x18600] =	vst v63  }
0xe9: {  	_ = 	snop  }
0xea: {  	[tilespmem:s30], [sflag:$0x5] =	stream.indirect.gather [hbm4b:s4+s14], $0x40, s29, s14, $0xb8;
	[tilespmem:$0x18600] =	vst v63  }
0xeb: {  	_ =	swait.ge [sflag:s1], $0x2000  }
0xec: {  	[sflag:s1] =	ssyncset.done $0x0  }
0xed: {  	[sflag:s1] =	ssyncadd.s32 $0xFFFFE000  }
0xee: {  	_ =	swait.ge [sflag:s1], $0x2000  }
0xef: {  	[sflag:s1] =	ssyncset.done $0x0  }
0xf0: {  	[sflag:s1] =	ssyncadd.s32 $0xFFFFE000  }
0xf1: {  	_ =	swait.ge [sflag:s1], $0x2000  }
0xf2: {  	[sflag:s1] =	ssyncset.done $0x0  }
0xf3: {  	[sflag:s1] =	ssyncadd.s32 $0xFFFFE000  }
0xf4: {  	_ =	swait.ge [sflag:s1], $0x2000  }
0xf5: {  	[sflag:s1] =	ssyncset.done $0x0  }
0xf6: {  	s12 =	rddreg [dreg:$0xe];
	[sflag:s1] =	ssyncadd.s32 $0xFFFFE000  }
0xf7: {  	[hbm4b:s12+s0] =	stream.strided.scatter [tilespmem:s15], [sflag:$0x7], $0x8000, s14, s0, $0x38;
	[tilespmem:$0x18600] =	vst v63  }
0xf8: {  	_ =	swait.ge [sflag:s8], $0x2000  }
0xf9: {  	[sflag:s8] =	ssyncset.done $0x0  }
0xfa: {  	[sflag:s8] =	ssyncadd.s32 $0xFFFFE000  }
0xfb: {  	_ =	swait.ge [sflag:s8], $0x2000  }
0xfc: {  	[sflag:s8] =	ssyncset.done $0x0  }
0xfd: {  	[sflag:s8] =	ssyncadd.s32 $0xFFFFE000  }
0xfe: {  	_ =	swait.ge [sflag:s8], $0x2000  }
0xff: {  	[sflag:s8] =	ssyncset.done $0x0  }
0x100: {  	[sflag:s8] =	ssyncadd.s32 $0xFFFFE000  }
0x101: {  	_ =	swait.ge [sflag:s8], $0x2000  }
0x102: {  	[sflag:s8] =	ssyncset.done $0x0  }
0x103: {  	s17 =	simm.s32 $0x9;
	s16 =	rddreg [dreg:$0xf];
	[sflag:s8] =	ssyncadd.s32 $0xFFFFE000  }
0x104: {  	[hbm4b:s16+s0] =	stream.strided.scatter [tilespmem:s23], [sflag:$0x8], $0x8000, s14, s0, $0x38;
	[tilespmem:$0x18600] =	vst v63  }
0x105: {  	_ =	swait.ge [sflag:s17], $0x8000  }
0x106: {  	[sflag:s17] =	ssyncset.done $0x0  }
0x107: {  	[sflag:s17] =	ssyncadd.s32 $0xFFFF8000  }
0x108: {  	_ =	swait.ge [sflag:s9], $0x8000  }
0x109: {  	[sflag:s9] =	ssyncset.done $0x0  }
0x10a: {  	[sflag:s9] =	ssyncadd.s32 $0xFFFF8000  }
0x10b: {  	_ =	swait.ge [sflag:s11], $0x8000  }
0x10c: {  	s19 =	rddreg [dreg:$0x14]  }
0x10d: {  	s26 =	rddreg [dreg:$0x10];
	s10 =	sadd.s32 $0x1, s19  }
0x10e: {  	p0 =	sne.s32 s10, s26  }
.Ltmp1:
0x10f: {  	_ = 	snop;
	(pc) =	sbr.rel @p0 .LBB2_1-.Ltmp1, $3  }
0x110: {  	_ =	sdelay $0x1  }
0x111: {  	[sflag:s11] =	ssyncset.done $0x0  }
0x112: {  	s17 =	simm.s32 $0x180;
	[sflag:s11] =	ssyncadd.s32 $0xFFFF8000;
	s26 =	simm.s32 $0x6600  }
0x113: {  	_ =	sfence.sel $0x180000  }
0x114: {  	[bflag:$0x0] =	sbarrier.arrive $0xFFFF  }
0x115: {  	_ =	strace $0x90000047  }
0x116: {  	s0 =	stileid.u32;
	[bflag:$0x2] =	sbarrier.arrive $0xFFFF  }
0x117: {  	p0 =	sne.s32 s0, $0x0;
	s0 =	rddreg [dreg:$0x2]  }
0x118: {  	s0 =	sadd.s32 @!p0 $0x100000, s0  }
0x119: {  	[sflag:s0] =	ssyncadd.tile.s32 @!p0 $0x1;
	_ =	shalt  }
.Lfunc_end2:
_tile_overlayer_lowered:
.L_overlay_start_2:
0x11a: {  	(tag) =	ssettag $0x2  }
0x11b: {  	s0 =	rddreg [dreg:$0x0];
	s2 =	stileid.u32  }
0x11c: {  	s1 =	rddreg [dreg:$0x1];
	p0 =	sne.s32 s2, $0x0  }
0x11d: {  	s3 =	rddreg [dreg:$0x2];
	[bflag:$0x3] =	sbarrier.arrive $0xFFFF;
	s2 =	simm.s32 @!p0 $0x1C0A  }
0x11e: {  	[timem:s3], [sflag:s2] =	dma.local @!p0 [hbm:s0], s1  }
0x11f: {  	s0 =	simm.s32 @!p0 $0xA  }
0x120: {  	_ =	swait.ge @!p0 [sflag:s0], s1  }
0x121: {  	s1 =	ssub.s32 @!p0 $0x0, s1;
	[sflag:s0] =	ssyncset.done @!p0 $0x0  }
0x122: {  	[sflag:s0] =	ssyncadd.s32 @!p0 s1  }
0x123: {  	[bflag:$0x3] =	sbarrier.arrive $0xFFFF  }
0x124: {  	_ =	shalt  }

// kernel: sparse-core-data-format-call.cloned.1.call-start
scs
called_computation_lowered:
.L_overlay_start_0:
0x0: {  	s2 =	sld [smem:$0x3FD9]  }
0x1: {  	s3 =	sld [smem:$0x3FFE];
	_ =	sdelay $0x1  }
0x2: {  	s1 =	srdreg.scid  }
0x3: {  	s0 =	sand.u32 $0x1, s1  }
0x4: {  	s18 =	sshll.u32 s0, $0xA;
	s2 =	sadd.s32 s3, s2  }
0x5: {  	s2 =	sadd.s32 s2, s18  }
0x6: {  	[smem:$0x3FC6] =	sst s2  }
0x7: {  	_ = 	snop  }
0x8: {  	s2 =	sld [smem:$0x3FD0];
	(tm) =	ssettm $0x1  }
0x9: {  	s19 =	sld [smem:$0x3FFB];
	_ =	sdelay $0x3  }
0xa: {  	_ =	strace s19  }
0xb: {  	s3 =	sld [smem:$0x3FFC];
	_ =	sdelay $0x3  }
0xc: {  	_ =	strace s3  }
0xd: {  	s3 =	sld [smem:$0x3FFD];
	_ =	sdelay $0x3  }
0xe: {  	_ =	strace s3  }
0xf: {  	_ =	strace $0x8FFFFFFF  }
0x10: {  	s20 =	sld [smem:$0x3FDB];
	_ =	sdelay $0x1  }
0x11: {  	s4 =	simm.s32 $_scs_section_size  }
0x12: {  	s5 =	simm.s32 $_size__tile_overlayer_lowered;
	s6 =	simm.s32 $_tile_overlayer_lowered  }
0x13: {  	s23 =	simm.s32 $0x1BFF;
	s22 =	sshll.u32 s6, $0x1;
	s3 =	sadd.s32 s4, s20  }
0x14: {  	s7 =	simm.s32 $0x0;
	s21 =	sshll.u32 s5, $0x1;
	s5 =	sadd.s32 s22, s3  }
0x15: {  	[timem:s7], [sflag:s23] =	dma.local [hbm:s5], s21  }
0x16: {  	_ =	swait.ge [sflag:s23], s21  }
0x17: {  	s4 =	ssub.s32 $0x0, s21;
	[sflag:s23] =	ssyncset.done $0x0  }
0x18: {  	[sflag:s23] =	ssyncadd.s32 s4;
	_ =	sdelay $0x1  }
0x19: {  	s24 =	simm.s32 $0x1B8B  }
0x1a: {  	_ =	swait.ge [sflag:s24], $0x1  }
0x1b: {  	[sflag:s24] =	ssyncset.done $0x0  }
0x1c: {  	s26 =	simm.s32 $0x1B8E;
	s25 =	sld [smem:$0x3FFE];
	[sflag:s24] =	ssyncadd.s32 $0xFFFFFFFF  }
0x1d: {  	s27 =	simm.s32 $execute0_lowered;
	[smem:$0x3FD2] =	sst s26  }
0x1e: {  	s5 =	sshll.u32 s27, $0x1;
	_ =	strace $0x80000049;
	[dreg:$0x1] =	wrdreg $0xFFFFFFFF  }
0x1f: {  	s28 =	simm.s32 $_size_execute0_lowered;
	s3 =	sadd.s32 s3, s5;
	[dreg:$0x0] =	wrdreg $0x0  }
0x20: {  	s5 =	sshll.u32 s28, $0x1;
	[dreg:$0x2] =	wrdreg s3  }
0x21: {  	[dreg:$0x3] =	wrdreg s5  }
0x22: {  	[dreg:$0x4] =	wrdreg $0xC0  }
0x23: {  	_ =	task [dreg:s7], $0x5FFFF  }
0x24: {  	[dreg:$0x1] =	wrdreg $0xFFFFFFFF  }
0x25: {  	[dreg:$0x0] =	wrdreg $0x60  }
0x26: {  	[dreg:$0x2] =	wrdreg s25  }
0x27: {  	[dreg:$0x3] =	wrdreg s2  }
0x28: {  	[dreg:$0x4] =	wrdreg $0x9  }
0x29: {  	_ =	task.clear_ibuf [dreg:s7], $0x5FFFF;
	_ =	strace $0x90000049  }
0x2a: {  	s29 =	simm.s32 $0x9;
	_ =	strace $0x8000004B  }
0x2b: {  	_ =	swait.ge [sflag:s29], $0x1  }
0x2c: {  	[sflag:s29] =	ssyncadd.s32 $0xFFFFFFFF  }
0x2d: {  	_ =	strace $0x9000004B  }
0x2e: {  	_ =	sfence  }
0x2f: {  	s30 =	sld [smem:$0x0];
	_ =	sdelay $0x2  }
0x30: {  	s31 =	sshll.u32 s1, $0xD;
	s1 =	sshrl.u32 s1, $0x2  }
0x31: {  	s3 =	sand.u32 $0x4000, s31;
	s1 =	sadd.s32 s1, s30  }
0x32: {  	s0 =	sor.u32 s3, s0;
	s1 =	sshll.u32 s1, $0x11  }
0x33: {  	s0 =	sor.u32 s1, s0  }
0x34: {  	s0 =	sadd.s32 $0x8F2B, s0  }
0x35: {  	[sflag:s0] =	ssyncadd.remote.s32 $0x1  }
0x36: {  	_ =	sfence.sel $0xFFFF  }
0x37: {  	[dreg:$0x0] =	wrdreg $0xFFFFFFFF;
	(pc) =	sbr.abs _section_cstart, $3  }
0x38: {  	[dreg:$0x1] =	wrdreg $0xFFFFFFFF  }
0x39: {  	_ =	task.clear_ibuf [dreg:s7], $0x2FFFF;
	_ =	strace $0x9FFFFFFF  }
0x3a: {  	(tm) =	ssettm $0x7FFFFFFF  }
0x3b: {  	_ =	shalt  }
tec
execute0_lowered:
.L_overlay_start_1:
0x0: {  	(tag) =	ssettag $0x1  }
0x1: {  	s0 =	srdreg.scid  }
0x2: {  	s1 =	sshll.u32 s0, $0x4  }
0x3: {  	s0 =	stileid.u32;
	s1 =	sand.u32 $0x10, s1  }
0x4: {  	s1 =	sor.u32 s0, s1  }
0x5: {  	s6 =	rddreg [dreg:$0x0];
	s4 =	simm.s32 $0x1;
	s2 =	sshll.u32 s1, $0x7  }
0x6: {  	s7 =	simm.s32 $0x2;
	s12 =	simm.s32 $0x0;
	s1 =	ssub.s32 $0x1000, s2  }
0x7: {  	s8 =	simm.s32 $0x8000;
	s13 =	simm.s32 $0x0;
	s3 =	sand.u32 $0xF80, s1  }
0x8: {  	s9 =	simm.s32 $0x0;
	s5 =	sshrl.u32 s1, $0xC;
	p0 =	sne.s32 s3, $0x0  }
.Ltmp0:
0x9: {  	s1 =	rddreg [dreg:$0x2];
	s4 =	simm.s32 @!p0 $0x0;
	(pc) =	sbr.rel .LBB1_1-.Ltmp0, $4  }
0xa: {  	s11 =	simm.s32 $0x0;
	s3 =	rddreg [dreg:$0x1];
	s5 =	sadd.s32 s4, s5  }
0xb: {  	_ =	strace $0x8000004A;
	s4 =	simm.s32 $0x1;
	s5 =	smul.u32 $0xC8, s5  }
0xc: {  	s6 =	sadd.s32 $0xA00, s6;
	s10 =	smov.u32 s2;
	[sflag:s4] =	ssyncpa.u1 $0x0  }
0xd: {  	p0 =	por $0x0, $0x0;
	[sflag:s7] =	ssyncpa.u1 $0x0;
	s7 =	sor.u32 $0x1, s5  }
.LBB1_4:
0xe: {  	s16 =	sshll.u32 s13, $0x3;
	s17 =	sand.u32 $0x78, s13  }
0xf: {  	s30 =	sand.u32 $0x7E00, s13;
	s12 =	sshll.u32 s12, $0xF;
	s16 =	sand.u32 $0xC00, s16  }
0x10: {  	[tilespmem:s15+$0x810 ss:$0x81] =	vst.msk $0xffff, v2;
	s31 =	sand.u32 $0x7, s13;
	s16 =	sor.u32 s17, s16;
	s17 =	sadd.s32 s3, s30  }
0x11: {  	[tilespmem:s15+$0x1020 ss:$0x81] =	vst.msk $0xffff, v0;
	s13 =	sshll.u32 s31, $0x12;
	s12 =	sadd.s32 s12, s17;
	s16 =	sshrl.u32 s16, $0x3  }
0x12: {  	[tilespmem:s15+$0x0 ss:$0x81] =	vst.msk $0xffff, v1;
	s13 =	sor.u32 $0x400, s13;
	s12 =	sadd.s32 s16, s12  }
0x13: {  	[hbm4b:s12+s13] =	stream.strided.scatter [tilespmem:s14], [sflag:$0x2], $0x2000, s8, s13, $0x20;
	[tilespmem:$0x8080] =	vst v63  }
.LBB1_5:
0x14: {  	s14 =	sadd.s32 $0x1, s9  }
0x15: {  	s12 =	sadd.s32 $0x1000, s10;
	s16 =	smov.u32 s10;
	p2 =	sgt.s32 s14, $0xC7  }
0x16: {  	s16 =	smov.u32 @p2 s12  }
0x17: {  	s14 =	simm.s32 @p2 $0x0;
	p2 =	sgt.s32 s16, $0xFFF  }
0x18: {  	s16 =	smov.u32 @p2 s2;
	p2 =	sne.s32 s11, s7  }
.Ltmp1:
0x19: {  	p1 =	slt.u32 s11, $0x2;
	(pc) =	sbr.rel @!p2 .LBB1_6-.Ltmp1, $4  }
0x1a: {  	s15 =	simm.s32 @!p1 $0x2  }
0x1b: {  	s13 =	smov.u32 s10;
	p0 =	por !p0, !p0;
	_ =	swait.ge @!p1 [sflag:s15], $0x2000  }
0x1c: {  	s12 =	smov.u32 s9;
	[sflag:s15] =	ssyncset.done @!p1 $0x0;
	s9 =	smov.u32 s14  }
0x1d: {  	s11 =	sadd.s32 $0x1, s11;
	[sflag:s15] =	ssyncadd.s32 @!p1 $0xFFFFE000;
	s10 =	smov.u32 s16  }
.LBB1_1:
0x1e: {  	p1 =	sge.u32 s11, s5  }
0x1f: {  	s14 =	sand.u32 @!p1 $0x1FFFFFF, s9  }
0x20: {  	s15 =	smulhi.u32 @!p1 $0x147AE15, s14;
	_ =	sdelay $0x1  }
0x21: {  	s15 =	smul.u32 @!p1 $0xC8, s15  }
0x22: {  	s16 =	sxor.u32 @!p1 $0xFFFFFFFF, s11;
	s17 =	smul.u32 @!p1 $0xC80, s10  }
0x23: {  	s31 =	sadd.s32 $0xFFFFFFFF, s11;
	s16 =	sshll.u32 @!p1 s16, $0xD;
	s14 =	ssub.s32 @!p1 s14, s15  }
0x24: {  	s15 =	sand.u32 @!p1 $0x2000, s16;
	s16 =	sadd.s32 @!p1 s6, s17;
	s14 =	sshll.u32 @!p1 s14, $0x4  }
0x25: {  	s17 =	simm.s32 @!p1 $0x6400;
	s14 =	sadd.s32 @!p1 s14, s16;
	s16 =	simm.s32 @!p1 $0x40  }
0x26: {  	[tilespmem:s15], [sflag:$0x1] =	stream.strided.gather @!p1 [hbm4b:s14+s16], $0x2000, s17, s16, $0x38;
	[tilespmem:$0x8080] =	vst v63  }
0x27: {  	p1 =	sge.u32 s31, s5  }
.Ltmp2:
0x28: {  	_ = 	snop;
	(pc) =	sbr.rel @p1 .LBB1_5-.Ltmp2, $1  }
0x29: {  	_ =	sdelay $0x3  }
0x2a: {  	s14 =	simm.s32 $0x1  }
0x2b: {  	_ =	swait.ge [sflag:s4], $0x2000;
	s14 =	simm.s32 @!p0 $0x0  }
0x2c: {  	[sflag:s4] =	ssyncset.done $0x0;
	s15 =	sshll.u32 s14, $0xD  }
0x2d: {  	[sflag:s4] =	ssyncadd.s32 $0xFFFFE000;
	s18 =	sor.u32 $0x20, s15  }
0x2e: {  	s14 =	smul.u32 $0x8100, s14;
	v3 =	vld [tilespmem:s18+$0x10]  }
0x2f: {  	s30 =	sand.u32 $0x1, s11;
	v2 =	vld [tilespmem:s18+$0xFFFFFFF0]  }
0x30: {  	s15 =	smul.u32 $0x8100, s30;
	s14 =	sshrl.u32 s14, $0x2;
	v0 =	vld [tilespmem:s18+$0x0]  }
0x31: {  	v1 =	vld [tilespmem:s18+$0xFFFFFFE0];
	s16 =	sor.u32 $0x4000, s14  }
0x32: {  	s31 =	sshrl.u32 s15, $0x2;
	s15 =	sadd.s32 $0x0, s16  }
0x33: {  	s17 =	simm.s32 $0x4;
	s18 =	sadd.s32 $0x40, s18;
	s14 =	sor.u32 $0x4000, s31;
	[tilespmem:s15+$0x1830 ss:$0x81] =	vst.msk $0xffff, v3  }
.LBB1_3:
0x34: {  	v3 =	vld [tilespmem:s18+$0x10];
	p1 =	sne.s32 s17, $0x1FC;
	[tilespmem:s15+$0x810 ss:$0x81] =	vst.msk $0xffff, v2;
	s19 =	smov.u32 s17;
	s17 =	sadd.s32 $0x4, s17  }
.Ltmp3:
0x35: {  	v2 =	vld [tilespmem:s18+$0xFFFFFFF0];
	[tilespmem:s15+$0x1020 ss:$0x81] =	vst.msk $0xffff, v0;
	(pc) =	sbr.rel @p1 .LBB1_3-.Ltmp3, $4  }
0x36: {  	v0 =	vld [tilespmem:s18+$0x0];
	[tilespmem:s15+$0x0 ss:$0x81] =	vst.msk $0xffff, v1  }
0x37: {  	s15 =	sshra.s32 s19, $0x2;
	v1 =	vld [tilespmem:s18+$0xFFFFFFE0]  }
0x38: {  	s15 =	sadd.s32 s15, s16  }
0x39: {  	s18 =	sadd.s32 $0x40, s18;
	[tilespmem:s15+$0x1830 ss:$0x81] =	vst.msk $0xffff, v3  }
.Ltmp4:
0x3a: {  	_ = 	snop;
	(pc) =	sbr.rel .LBB1_4-.Ltmp4, $1  }
0x3b: {  	_ =	sdelay $0x3  }
.LBB1_6:
0x3c: {  	_ =	sfence.sel $0x180000  }
0x3d: {  	s2 =	simm.s32 $0x1;
	[bflag:$0x0] =	sbarrier.arrive $0xFFFF  }
0x3e: {  	s31 =	simm.s32 $0x2;
	[sflag:s2] =	ssyncpa.u1 $0x1  }
0x3f: {  	[sflag:s31] =	ssyncpa.u1 $0x1  }
0x40: {  	p0 =	sne.s32 s0, $0x0;
	_ =	strace $0x9000004A  }
0x41: {  	s0 =	sadd.s32 @!p0 $0x100000, s1;
	[bflag:$0x2] =	sbarrier.arrive $0xFFFF  }
0x42: {  	[sflag:s0] =	ssyncadd.tile.s32 @!p0 $0x1;
	_ =	shalt  }
.Lfunc_end1:
_tile_overlayer_lowered:
.L_overlay_start_2:
0x43: {  	(tag) =	ssettag $0x2  }
0x44: {  	s0 =	rddreg [dreg:$0x0];
	s2 =	stileid.u32  }
0x45: {  	s1 =	rddreg [dreg:$0x1];
	p0 =	sne.s32 s2, $0x0  }
0x46: {  	s3 =	rddreg [dreg:$0x2];
	[bflag:$0x3] =	sbarrier.arrive $0xFFFF;
	s2 =	simm.s32 @!p0 $0x1C01  }
0x47: {  	[timem:s3], [sflag:s2] =	dma.local @!p0 [hbm:s0], s1  }
0x48: {  	s0 =	simm.s32 @!p0 $0x1  }
0x49: {  	_ =	swait.ge @!p0 [sflag:s0], s1  }
0x4a: {  	s1 =	ssub.s32 @!p0 $0x0, s1;
	[sflag:s0] =	ssyncset.done @!p0 $0x0  }
0x4b: {  	[sflag:s0] =	ssyncadd.s32 @!p0 s1  }
0x4c: {  	[bflag:$0x3] =	sbarrier.arrive $0xFFFF  }
0x4d: {  	_ =	shalt  }

</sc_bundles>
